<compile_context>
chip_gen: v7x
topology: tpu7x:2x2x1
jax: 0.10.2.dev20260603
libtpu: 0.0.44.dev20260713+nightly
codegen_flags: <defaults>
</compile_context>

<pallas_src>
import functools

import jax
import jax.numpy as jnp
from jax import lax
from jax.experimental import pallas as pl
from jax.experimental.pallas import tpu as pltpu
from jax.experimental.pallas import tpu_sc as plsc

_TILE = 4096
_CHUNK = 64


def _logits_kernel(e_ref, w1_ref, b1_ref, w2_ref, lo_ref, m_ref_o, z_ref_o,
                   m_ref, z_ref, *, tile, batch):
    i = pl.program_id(0)

    @pl.when(i == 0)
    def _init():
        m_ref[0] = -jnp.inf
        z_ref[0] = 0.0

    e = e_ref[...]
    h = jax.lax.dot_general(
        e, w1_ref[...], (((1,), (1,)), ((), ())),
        preferred_element_type=jnp.float32)
    h = jnp.maximum(h + b1_ref[...], 0.0)
    logit = jax.lax.dot_general(
        h, w2_ref[...], (((1,), (1,)), ((), ())),
        preferred_element_type=jnp.float32)
    lo_ref[...] = logit

    m_old = m_ref[0]
    m_new = jnp.maximum(m_old, jnp.max(logit))
    alpha = jnp.exp(m_old - m_new)
    z_ref[0] = z_ref[0] * alpha + jnp.sum(jnp.exp(logit - m_new))
    m_ref[0] = m_new

    @pl.when(i == pl.num_programs(0) - 1)
    def _finish():
        m_ref_o[...] = jnp.full((1, 16), m_ref[0], jnp.float32)
        z_ref_o[...] = jnp.full((1, 16), z_ref[0], jnp.float32)


def _seg_sum_sc(e_hbm, lo_hbm, m_hbm, en_hbm, part_hbm,
                e_buf, l_buf, s_buf, acc_ref, m_buf, en_buf,
                *, total, embed_dim, chunk):
    wid = lax.axis_index("s") * 2 + lax.axis_index("c")
    seg = wid // 2
    part = wid % 2

    pltpu.sync_copy(m_hbm, m_buf)
    pltpu.sync_copy(en_hbm, en_buf.at[pl.ds(0, 16)])
    mv = m_buf[...]

    for k in range(embed_dim // 16):
        acc_ref[pl.ds(k * 16, 16)] = jnp.zeros((16,), jnp.float32)

    en_seg = jnp.minimum(en_buf[pl.ds(seg, 16)][0], total)
    st_seg = jnp.where(
        seg == 0, 0,
        jnp.minimum(en_buf[pl.ds(jnp.maximum(seg - 1, 0), 16)][0], total))
    half = (en_seg - st_seg + 1) // 2
    my_start = st_seg + part * half
    my_end = jnp.minimum(en_seg, my_start + half)
    g0 = my_start // chunk
    nslice = embed_dim // 16

    def chunk_body(ci, _):
        base = (g0 + ci) * chunk

        @pl.when(base < my_end)
        def _():
            pltpu.sync_copy(e_hbm.at[pl.ds(base, chunk)], e_buf)
            pltpu.sync_copy(lo_hbm.at[pl.ds(base, chunk)], l_buf)
            for k4 in range(chunk // 16):
                s_buf[pl.ds(k4 * 16, 16)] = jnp.exp(
                    l_buf[pl.ds(k4 * 16, 16)] - mv)

            def tok_body(ti, _2):
                t = base + ti
                valid = jnp.logical_and(t >= my_start, t < my_end)
                w_eff = jnp.where(valid, s_buf[pl.ds(ti, 16)][0], 0.0)
                for k in range(nslice):
                    ev = e_buf[ti, pl.ds(k * 16, 16)]
                    plsc.addupdate(acc_ref.at[pl.ds(k * 16, 16)], ev * w_eff)
                return 0

            lax.fori_loop(0, chunk, tok_body, 0)
        return 0

    lax.fori_loop(0, total // chunk // 16 + 1, chunk_body, 0)
    pltpu.sync_copy(acc_ref, part_hbm.at[wid])


def _combine_kernel(p_ref, z_ref, out_ref):
    out_ref[...] = (p_ref[:, 0, :] + p_ref[:, 1, :]) / z_ref[0:1, 0:1]


def kernel(embeddings, lengths, W1, b1, W2, b2):
    total, embed_dim = embeddings.shape
    batch = lengths.shape[0]
    tile = _TILE
    num_tiles = total // tile

    logits, m_arr, z_arr = pl.pallas_call(
        functools.partial(_logits_kernel, tile=tile, batch=batch),
        grid=(num_tiles,),
        in_specs=[
            pl.BlockSpec((tile, embed_dim), lambda i: (i, 0)),
            pl.BlockSpec((embed_dim, embed_dim), lambda i: (0, 0)),
            pl.BlockSpec((1, embed_dim), lambda i: (0, 0)),
            pl.BlockSpec((1, embed_dim), lambda i: (0, 0)),
        ],
        out_specs=[
            pl.BlockSpec((tile, 1), lambda i: (i, 0)),
            pl.BlockSpec((1, 16), lambda i: (0, 0)),
            pl.BlockSpec((1, 16), lambda i: (0, 0)),
        ],
        out_shape=[
            jax.ShapeDtypeStruct((total, 1), jnp.float32),
            jax.ShapeDtypeStruct((1, 16), jnp.float32),
            jax.ShapeDtypeStruct((1, 16), jnp.float32),
        ],
        scratch_shapes=[
            pltpu.SMEM((1,), jnp.float32),
            pltpu.SMEM((1,), jnp.float32),
        ],
        compiler_params=pltpu.CompilerParams(
            dimension_semantics=("arbitrary",),
        ),
    )(embeddings, W1, b1.reshape(1, embed_dim), W2)

    ends = jnp.cumsum(lengths.astype(jnp.int32))

    mesh = plsc.VectorSubcoreMesh(core_axis_name="c", subcore_axis_name="s")
    sc_fn = functools.partial(
        _seg_sum_sc, total=total, embed_dim=embed_dim, chunk=_CHUNK)
    partials = pl.kernel(
        sc_fn,
        mesh=mesh,
        out_type=jax.ShapeDtypeStruct((2 * batch, embed_dim), jnp.float32),
        scratch_types=[
            pltpu.VMEM((_CHUNK, embed_dim), jnp.float32),
            pltpu.VMEM((_CHUNK,), jnp.float32),
            pltpu.VMEM((_CHUNK + 16,), jnp.float32),
            pltpu.VMEM((embed_dim,), jnp.float32),
            pltpu.VMEM((16,), jnp.float32),
            pltpu.VMEM((32,), jnp.int32),
        ],
    )(embeddings, logits.reshape(total), m_arr.reshape(16), ends)

    out = pl.pallas_call(
        _combine_kernel,
        in_specs=[
            pl.BlockSpec((batch, 2, embed_dim), lambda: (0, 0, 0)),
            pl.BlockSpec((1, 16), lambda: (0, 0)),
        ],
        out_specs=pl.BlockSpec((batch, embed_dim), lambda: (0, 0)),
        out_shape=jax.ShapeDtypeStruct((batch, embed_dim), jnp.float32),
    )(partials.reshape(batch, 2, embed_dim), z_arr)
    return out

# --- scband reference (transcript-rebuilt; emitter-appended) ---
"""Pipeline reference for scband-dynamic-weighted-average-73358041416238 (READ-ONLY COPY).

The authoritative reference and input builder live on the scoring server;
editing this copy changes nothing except your own understanding.
"""

import jax, jax.numpy as jnp
import numpy as np

EMBED_DIM = 512
BATCH = 16
TOTAL = 32768


def setup_inputs(seed: int = 0) -> dict:
    key = jax.random.key(seed)
    k1, k2, k3, k4 = jax.random.split(key, 4)
    embeddings = jax.random.normal(k1, (TOTAL, EMBED_DIM), dtype=jnp.float32)
    lengths = jax.random.randint(k2, (BATCH,), 0, 4096, dtype=jnp.int32)
    # weight_net params: Linear(embed_dim, embed_dim) -> ReLU -> Linear(embed_dim, 1) -> Softmax(dim=0)
    W1 = jax.random.normal(k3, (EMBED_DIM, EMBED_DIM), dtype=jnp.float32) / np.sqrt(EMBED_DIM)
    b1 = jnp.zeros((EMBED_DIM,), dtype=jnp.float32)
    W2 = jax.random.normal(k4, (1, EMBED_DIM), dtype=jnp.float32) / np.sqrt(EMBED_DIM)
    b2 = jnp.zeros((1,), dtype=jnp.float32)
    return {"embeddings": embeddings, "lengths": lengths, "W1": W1, "b1": b1, "W2": W2, "b2": b2}


def reference(embeddings, lengths, W1, b1, W2, b2):
    # weight_net: Linear -> ReLU -> Linear -> Softmax over dim 0 (all tokens jointly)
    h = jnp.maximum(embeddings @ W1.T + b1, 0.0)
    logits = h @ W2.T + b2  # (total, 1)
    weights = jax.nn.softmax(logits, axis=0)  # softmax across ALL tokens, per torch Softmax(dim=0)
    # ragged per-segment weighted sum (faithful to the python loop in torch forward)
    ends = jnp.cumsum(lengths)
    starts = ends - lengths
    idx = jnp.arange(embeddings.shape[0])
    weighted = embeddings * weights
    pooled = []
    for i in range(lengths.shape[0]):
        mask = (idx >= starts[i]) & (idx < ends[i])
        pooled.append(jnp.sum(jnp.where(mask[:, None], weighted, 0.0), axis=0))
    return jnp.stack(pooled)

if __name__ == "__main__":
    import jax
    _d = setup_inputs()
    print(jax.jit(kernel)(*tuple(_d.values())))

</pallas_src>

<mosaic_0001>
#map = affine_map<(d0, d1) -> (0, 0)>
#map1 = affine_map<(d0, d1) -> (0)>
module attributes {stable_mosaic.version = 14 : i64} {
  func.func @_seg_sum_sc(%arg0: i32, %arg1: i32, %arg2: memref<32768x512xf32, #tpu.memory_space<hbm>>, %arg3: memref<32768xf32, #tpu.memory_space<hbm>>, %arg4: memref<16xf32, #tpu.memory_space<hbm>>, %arg5: memref<16xi32, #tpu.memory_space<hbm>>, %arg6: memref<32x512xf32, #tpu.memory_space<hbm>>, %arg7: memref<64x512xf32, #tpu.memory_space<vmem>>, %arg8: memref<64xf32, #tpu.memory_space<vmem>>, %arg9: memref<80xf32, #tpu.memory_space<vmem>>, %arg10: memref<512xf32, #tpu.memory_space<vmem>>, %arg11: memref<16xf32, #tpu.memory_space<vmem>>, %arg12: memref<32xi32, #tpu.memory_space<vmem>>) attributes {dimension_semantics = [#tpu.dimension_semantics<core_parallel>, #tpu.dimension_semantics<subcore_parallel>], iteration_bounds = array<i64: 2, 16>, scalar_prefetch = 0 : i64, scratch_operands = 6 : i64, tpu.core_type = #tpu.core_type<sc_vector_subcore>, window_params = [{transform_indices = #map}, {transform_indices = #map1}, {transform_indices = #map1}, {transform_indices = #map1}, {transform_indices = #map}]} {
    %mul3A = arith.constant 2 : i32
    %mul3A_0 = arith.muli %arg1, %mul3A : i32
    %add3A = arith.addi %mul3A_0, %arg0 : i32
    %jit3A = arith.constant 2 : i32
    %div3A = arith.divsi %add3A, %jit3A : i32
    %sign3A = arith.constant 0 : i32
    %sign3A_1 = arith.cmpi sgt, %add3A, %sign3A : i32
    %sign3A_2 = arith.extui %sign3A_1 : i1 to i32
    %sign3A_3 = arith.constant 0 : i32
    %sign3A_4 = arith.cmpi slt, %add3A, %sign3A_3 : i32
    %sign3A_5 = arith.extui %sign3A_4 : i1 to i32
    %sign3A_6 = arith.subi %sign3A_2, %sign3A_5 : i32
    %sign3A_7 = arith.constant 0 : i32
    %sign3A_8 = arith.cmpi sgt, %jit3A, %sign3A_7 : i32
    %sign3A_9 = arith.extui %sign3A_8 : i1 to i32
    %sign3A_10 = arith.constant 0 : i32
    %sign3A_11 = arith.cmpi slt, %jit3A, %sign3A_10 : i32
    %sign3A_12 = arith.extui %sign3A_11 : i1 to i32
    %sign3A_13 = arith.subi %sign3A_9, %sign3A_12 : i32
    %ne3A = arith.cmpi ne, %sign3A_6, %sign3A_13 : i32
    %rem3A = arith.remsi %add3A, %jit3A : i32
    %ne3A_14 = arith.constant 0 : i32
    %ne3A_15 = arith.cmpi ne, %rem3A, %ne3A_14 : i32
    %and3A = arith.andi %ne3A, %ne3A_15 : i1
    %sub3A = arith.constant 1 : i32
    %sub3A_16 = arith.subi %div3A, %sub3A : i32
    %select_n3A = arith.select %and3A, %sub3A_16, %div3A : i32
    %jit3A_17 = arith.constant 2 : i32
    %eq3A = arith.constant 0 : i32
    %eq3A_18 = arith.cmpi eq, %jit3A_17, %eq3A : i32
    %jit3A_19 = arith.constant 1 : i32
    %select_n3A_20 = arith.select %eq3A_18, %jit3A_19, %jit3A_17 : i32
    %rem3A_21 = arith.remsi %add3A, %select_n3A_20 : i32
    %ne3A_22 = arith.constant 0 : i32
    %ne3A_23 = arith.cmpi ne, %rem3A_21, %ne3A_22 : i32
    %lt3A = arith.constant 0 : i32
    %lt3A_24 = arith.cmpi slt, %rem3A_21, %lt3A : i32
    %lt3A_25 = arith.constant 0 : i32
    %lt3A_26 = arith.cmpi slt, %select_n3A_20, %lt3A_25 : i32
    %ne3A_27 = arith.xori %lt3A_24, %lt3A_26 : i1
    %and3A_28 = arith.andi %ne3A_27, %ne3A_23 : i1
    %add3A_29 = arith.addi %rem3A_21, %select_n3A_20 : i32
    %select_n3A_30 = arith.select %and3A_28, %add3A_29, %rem3A_21 : i32
    "tpu.region"() ({
      %run_scoped3A = tpu.sem_alloc : memref<!tpu.dma_semaphore, #tpu.memory_space<semaphore_mem>>
      tpu.enqueue_dma source(%arg4 : memref<16xf32, #tpu.memory_space<hbm>>) target(%arg11 : memref<16xf32, #tpu.memory_space<vmem>>) target_semaphore(%run_scoped3A : memref<!tpu.dma_semaphore, #tpu.memory_space<semaphore_mem>>)
      tpu.wait_dma2 semaphore(%run_scoped3A : memref<!tpu.dma_semaphore, #tpu.memory_space<semaphore_mem>>) src(%arg4 : memref<16xf32, #tpu.memory_space<hbm>>) dst(%arg11 : memref<16xf32, #tpu.memory_space<vmem>>)
      tpu.yield
    }) : () -> ()
    "tpu.region"() ({
      %run_scoped3A = tpu.sem_alloc : memref<!tpu.dma_semaphore, #tpu.memory_space<semaphore_mem>>
      %dma_start3A = arith.constant 0 : i32
      %dma_start3A_302 = tpu.memref_slice %arg12[%dma_start3A] : memref<32xi32, #tpu.memory_space<vmem>> -> memref<16xi32, #tpu.memory_space<vmem>>
      %dma_start3A_303 = arith.constant 0 : i32
      %dma_start3A_304 = tpu.memref_slice %arg12[%dma_start3A_303] : memref<32xi32, #tpu.memory_space<vmem>> -> memref<16xi32, #tpu.memory_space<vmem>>
      tpu.enqueue_dma source(%arg5 : memref<16xi32, #tpu.memory_space<hbm>>) target(%dma_start3A_304 : memref<16xi32, #tpu.memory_space<vmem>>) target_semaphore(%run_scoped3A : memref<!tpu.dma_semaphore, #tpu.memory_space<semaphore_mem>>)
      %dma_wait3A = arith.constant 0 : i32
      %dma_wait3A_305 = tpu.memref_slice %arg12[%dma_wait3A] : memref<32xi32, #tpu.memory_space<vmem>> -> memref<16xi32, #tpu.memory_space<vmem>>
      %dma_wait3A_306 = arith.constant 0 : i32
      %dma_wait3A_307 = tpu.memref_slice %arg12[%dma_wait3A_306] : memref<32xi32, #tpu.memory_space<vmem>> -> memref<16xi32, #tpu.memory_space<vmem>>
      tpu.wait_dma2 semaphore(%run_scoped3A : memref<!tpu.dma_semaphore, #tpu.memory_space<semaphore_mem>>) src(%arg5 : memref<16xi32, #tpu.memory_space<hbm>>) dst(%dma_wait3A_307 : memref<16xi32, #tpu.memory_space<vmem>>)
      tpu.yield
    }) : () -> ()
    %get3A = arith.constant 0 : index
    %get3A_31 = tpu.vector_load %arg11[%get3A] {strides = array<i32>} : memref<16xf32, #tpu.memory_space<vmem>>, vector<16xf32>,
    %get3A_32 = vector.shape_cast %get3A_31 : vector<16xf32> to vector<16xf32>
    %broadcast_in_dim3A = arith.constant 0.000000e+00 : f32
    %broadcast_in_dim3A_33 = vector.broadcast %broadcast_in_dim3A : f32 to vector<16xf32>
    %swap3A = arith.constant 0 : index
    %swap3A_34 = tpu.vector_load %arg10[%swap3A] {strides = array<i32>} : memref<512xf32, #tpu.memory_space<vmem>>, vector<16xf32>,
    %swap3A_35 = vector.shape_cast %swap3A_34 : vector<16xf32> to vector<16xf32>
    %swap3A_36 = vector.shape_cast %broadcast_in_dim3A_33 : vector<16xf32> to vector<16xf32>
    tpu.vector_store %arg10[%swap3A], %swap3A_36 {strides = array<i32>} : memref<512xf32, #tpu.memory_space<vmem>>, vector<16xf32>,
    %broadcast_in_dim3A_37 = arith.constant 0.000000e+00 : f32
    %broadcast_in_dim3A_38 = vector.broadcast %broadcast_in_dim3A_37 : f32 to vector<16xf32>
    %swap3A_39 = arith.constant 16 : index
    %swap3A_40 = tpu.vector_load %arg10[%swap3A_39] {strides = array<i32>} : memref<512xf32, #tpu.memory_space<vmem>>, vector<16xf32>,
    %swap3A_41 = vector.shape_cast %swap3A_40 : vector<16xf32> to vector<16xf32>
    %swap3A_42 = vector.shape_cast %broadcast_in_dim3A_38 : vector<16xf32> to vector<16xf32>
    tpu.vector_store %arg10[%swap3A_39], %swap3A_42 {strides = array<i32>} : memref<512xf32, #tpu.memory_space<vmem>>, vector<16xf32>,
    %broadcast_in_dim3A_43 = arith.constant 0.000000e+00 : f32
    %broadcast_in_dim3A_44 = vector.broadcast %broadcast_in_dim3A_43 : f32 to vector<16xf32>
    %swap3A_45 = arith.constant 32 : index
    %swap3A_46 = tpu.vector_load %arg10[%swap3A_45] {strides = array<i32>} : memref<512xf32, #tpu.memory_space<vmem>>, vector<16xf32>,
    %swap3A_47 = vector.shape_cast %swap3A_46 : vector<16xf32> to vector<16xf32>
    %swap3A_48 = vector.shape_cast %broadcast_in_dim3A_44 : vector<16xf32> to vector<16xf32>
    tpu.vector_store %arg10[%swap3A_45], %swap3A_48 {strides = array<i32>} : memref<512xf32, #tpu.memory_space<vmem>>, vector<16xf32>,
    %broadcast_in_dim3A_49 = arith.constant 0.000000e+00 : f32
    %broadcast_in_dim3A_50 = vector.broadcast %broadcast_in_dim3A_49 : f32 to vector<16xf32>
    %swap3A_51 = arith.constant 48 : index
    %swap3A_52 = tpu.vector_load %arg10[%swap3A_51] {strides = array<i32>} : memref<512xf32, #tpu.memory_space<vmem>>, vector<16xf32>,
    %swap3A_53 = vector.shape_cast %swap3A_52 : vector<16xf32> to vector<16xf32>
    %swap3A_54 = vector.shape_cast %broadcast_in_dim3A_50 : vector<16xf32> to vector<16xf32>
    tpu.vector_store %arg10[%swap3A_51], %swap3A_54 {strides = array<i32>} : memref<512xf32, #tpu.memory_space<vmem>>, vector<16xf32>,
    %broadcast_in_dim3A_55 = arith.constant 0.000000e+00 : f32
    %broadcast_in_dim3A_56 = vector.broadcast %broadcast_in_dim3A_55 : f32 to vector<16xf32>
    %swap3A_57 = arith.constant 64 : index
    %swap3A_58 = tpu.vector_load %arg10[%swap3A_57] {strides = array<i32>} : memref<512xf32, #tpu.memory_space<vmem>>, vector<16xf32>,
    %swap3A_59 = vector.shape_cast %swap3A_58 : vector<16xf32> to vector<16xf32>
    %swap3A_60 = vector.shape_cast %broadcast_in_dim3A_56 : vector<16xf32> to vector<16xf32>
    tpu.vector_store %arg10[%swap3A_57], %swap3A_60 {strides = array<i32>} : memref<512xf32, #tpu.memory_space<vmem>>, vector<16xf32>,
    %broadcast_in_dim3A_61 = arith.constant 0.000000e+00 : f32
    %broadcast_in_dim3A_62 = vector.broadcast %broadcast_in_dim3A_61 : f32 to vector<16xf32>
    %swap3A_63 = arith.constant 80 : index
    %swap3A_64 = tpu.vector_load %arg10[%swap3A_63] {strides = array<i32>} : memref<512xf32, #tpu.memory_space<vmem>>, vector<16xf32>,
    %swap3A_65 = vector.shape_cast %swap3A_64 : vector<16xf32> to vector<16xf32>
    %swap3A_66 = vector.shape_cast %broadcast_in_dim3A_62 : vector<16xf32> to vector<16xf32>
    tpu.vector_store %arg10[%swap3A_63], %swap3A_66 {strides = array<i32>} : memref<512xf32, #tpu.memory_space<vmem>>, vector<16xf32>,
    %broadcast_in_dim3A_67 = arith.constant 0.000000e+00 : f32
    %broadcast_in_dim3A_68 = vector.broadcast %broadcast_in_dim3A_67 : f32 to vector<16xf32>
    %swap3A_69 = arith.constant 96 : index
    %swap3A_70 = tpu.vector_load %arg10[%swap3A_69] {strides = array<i32>} : memref<512xf32, #tpu.memory_space<vmem>>, vector<16xf32>,
    %swap3A_71 = vector.shape_cast %swap3A_70 : vector<16xf32> to vector<16xf32>
    %swap3A_72 = vector.shape_cast %broadcast_in_dim3A_68 : vector<16xf32> to vector<16xf32>
    tpu.vector_store %arg10[%swap3A_69], %swap3A_72 {strides = array<i32>} : memref<512xf32, #tpu.memory_space<vmem>>, vector<16xf32>,
    %broadcast_in_dim3A_73 = arith.constant 0.000000e+00 : f32
    %broadcast_in_dim3A_74 = vector.broadcast %broadcast_in_dim3A_73 : f32 to vector<16xf32>
    %swap3A_75 = arith.constant 112 : index
    %swap3A_76 = tpu.vector_load %arg10[%swap3A_75] {strides = array<i32>} : memref<512xf32, #tpu.memory_space<vmem>>, vector<16xf32>,
    %swap3A_77 = vector.shape_cast %swap3A_76 : vector<16xf32> to vector<16xf32>
    %swap3A_78 = vector.shape_cast %broadcast_in_dim3A_74 : vector<16xf32> to vector<16xf32>
    tpu.vector_store %arg10[%swap3A_75], %swap3A_78 {strides = array<i32>} : memref<512xf32, #tpu.memory_space<vmem>>, vector<16xf32>,
    %broadcast_in_dim3A_79 = arith.constant 0.000000e+00 : f32
    %broadcast_in_dim3A_80 = vector.broadcast %broadcast_in_dim3A_79 : f32 to vector<16xf32>
    %swap3A_81 = arith.constant 128 : index
    %swap3A_82 = tpu.vector_load %arg10[%swap3A_81] {strides = array<i32>} : memref<512xf32, #tpu.memory_space<vmem>>, vector<16xf32>,
    %swap3A_83 = vector.shape_cast %swap3A_82 : vector<16xf32> to vector<16xf32>
    %swap3A_84 = vector.shape_cast %broadcast_in_dim3A_80 : vector<16xf32> to vector<16xf32>
    tpu.vector_store %arg10[%swap3A_81], %swap3A_84 {strides = array<i32>} : memref<512xf32, #tpu.memory_space<vmem>>, vector<16xf32>,
    %broadcast_in_dim3A_85 = arith.constant 0.000000e+00 : f32
    %broadcast_in_dim3A_86 = vector.broadcast %broadcast_in_dim3A_85 : f32 to vector<16xf32>
    %swap3A_87 = arith.constant 144 : index
    %swap3A_88 = tpu.vector_load %arg10[%swap3A_87] {strides = array<i32>} : memref<512xf32, #tpu.memory_space<vmem>>, vector<16xf32>,
    %swap3A_89 = vector.shape_cast %swap3A_88 : vector<16xf32> to vector<16xf32>
    %swap3A_90 = vector.shape_cast %broadcast_in_dim3A_86 : vector<16xf32> to vector<16xf32>
    tpu.vector_store %arg10[%swap3A_87], %swap3A_90 {strides = array<i32>} : memref<512xf32, #tpu.memory_space<vmem>>, vector<16xf32>,
    %broadcast_in_dim3A_91 = arith.constant 0.000000e+00 : f32
    %broadcast_in_dim3A_92 = vector.broadcast %broadcast_in_dim3A_91 : f32 to vector<16xf32>
    %swap3A_93 = arith.constant 160 : index
    %swap3A_94 = tpu.vector_load %arg10[%swap3A_93] {strides = array<i32>} : memref<512xf32, #tpu.memory_space<vmem>>, vector<16xf32>,
    %swap3A_95 = vector.shape_cast %swap3A_94 : vector<16xf32> to vector<16xf32>
    %swap3A_96 = vector.shape_cast %broadcast_in_dim3A_92 : vector<16xf32> to vector<16xf32>
    tpu.vector_store %arg10[%swap3A_93], %swap3A_96 {strides = array<i32>} : memref<512xf32, #tpu.memory_space<vmem>>, vector<16xf32>,
    %broadcast_in_dim3A_97 = arith.constant 0.000000e+00 : f32
    %broadcast_in_dim3A_98 = vector.broadcast %broadcast_in_dim3A_97 : f32 to vector<16xf32>
    %swap3A_99 = arith.constant 176 : index
    %swap3A_100 = tpu.vector_load %arg10[%swap3A_99] {strides = array<i32>} : memref<512xf32, #tpu.memory_space<vmem>>, vector<16xf32>,
    %swap3A_101 = vector.shape_cast %swap3A_100 : vector<16xf32> to vector<16xf32>
    %swap3A_102 = vector.shape_cast %broadcast_in_dim3A_98 : vector<16xf32> to vector<16xf32>
    tpu.vector_store %arg10[%swap3A_99], %swap3A_102 {strides = array<i32>} : memref<512xf32, #tpu.memory_space<vmem>>, vector<16xf32>,
    %broadcast_in_dim3A_103 = arith.constant 0.000000e+00 : f32
    %broadcast_in_dim3A_104 = vector.broadcast %broadcast_in_dim3A_103 : f32 to vector<16xf32>
    %swap3A_105 = arith.constant 192 : index
    %swap3A_106 = tpu.vector_load %arg10[%swap3A_105] {strides = array<i32>} : memref<512xf32, #tpu.memory_space<vmem>>, vector<16xf32>,
    %swap3A_107 = vector.shape_cast %swap3A_106 : vector<16xf32> to vector<16xf32>
    %swap3A_108 = vector.shape_cast %broadcast_in_dim3A_104 : vector<16xf32> to vector<16xf32>
    tpu.vector_store %arg10[%swap3A_105], %swap3A_108 {strides = array<i32>} : memref<512xf32, #tpu.memory_space<vmem>>, vector<16xf32>,
    %broadcast_in_dim3A_109 = arith.constant 0.000000e+00 : f32
    %broadcast_in_dim3A_110 = vector.broadcast %broadcast_in_dim3A_109 : f32 to vector<16xf32>
    %swap3A_111 = arith.constant 208 : index
    %swap3A_112 = tpu.vector_load %arg10[%swap3A_111] {strides = array<i32>} : memref<512xf32, #tpu.memory_space<vmem>>, vector<16xf32>,
    %swap3A_113 = vector.shape_cast %swap3A_112 : vector<16xf32> to vector<16xf32>
    %swap3A_114 = vector.shape_cast %broadcast_in_dim3A_110 : vector<16xf32> to vector<16xf32>
    tpu.vector_store %arg10[%swap3A_111], %swap3A_114 {strides = array<i32>} : memref<512xf32, #tpu.memory_space<vmem>>, vector<16xf32>,
    %broadcast_in_dim3A_115 = arith.constant 0.000000e+00 : f32
    %broadcast_in_dim3A_116 = vector.broadcast %broadcast_in_dim3A_115 : f32 to vector<16xf32>
    %swap3A_117 = arith.constant 224 : index
    %swap3A_118 = tpu.vector_load %arg10[%swap3A_117] {strides = array<i32>} : memref<512xf32, #tpu.memory_space<vmem>>, vector<16xf32>,
    %swap3A_119 = vector.shape_cast %swap3A_118 : vector<16xf32> to vector<16xf32>
    %swap3A_120 = vector.shape_cast %broadcast_in_dim3A_116 : vector<16xf32> to vector<16xf32>
    tpu.vector_store %arg10[%swap3A_117], %swap3A_120 {strides = array<i32>} : memref<512xf32, #tpu.memory_space<vmem>>, vector<16xf32>,
    %broadcast_in_dim3A_121 = arith.constant 0.000000e+00 : f32
    %broadcast_in_dim3A_122 = vector.broadcast %broadcast_in_dim3A_121 : f32 to vector<16xf32>
    %swap3A_123 = arith.constant 240 : index
    %swap3A_124 = tpu.vector_load %arg10[%swap3A_123] {strides = array<i32>} : memref<512xf32, #tpu.memory_space<vmem>>, vector<16xf32>,
    %swap3A_125 = vector.shape_cast %swap3A_124 : vector<16xf32> to vector<16xf32>
    %swap3A_126 = vector.shape_cast %broadcast_in_dim3A_122 : vector<16xf32> to vector<16xf32>
    tpu.vector_store %arg10[%swap3A_123], %swap3A_126 {strides = array<i32>} : memref<512xf32, #tpu.memory_space<vmem>>, vector<16xf32>,
    %broadcast_in_dim3A_127 = arith.constant 0.000000e+00 : f32
    %broadcast_in_dim3A_128 = vector.broadcast %broadcast_in_dim3A_127 : f32 to vector<16xf32>
    %swap3A_129 = arith.constant 256 : index
    %swap3A_130 = tpu.vector_load %arg10[%swap3A_129] {strides = array<i32>} : memref<512xf32, #tpu.memory_space<vmem>>, vector<16xf32>,
    %swap3A_131 = vector.shape_cast %swap3A_130 : vector<16xf32> to vector<16xf32>
    %swap3A_132 = vector.shape_cast %broadcast_in_dim3A_128 : vector<16xf32> to vector<16xf32>
    tpu.vector_store %arg10[%swap3A_129], %swap3A_132 {strides = array<i32>} : memref<512xf32, #tpu.memory_space<vmem>>, vector<16xf32>,
    %broadcast_in_dim3A_133 = arith.constant 0.000000e+00 : f32
    %broadcast_in_dim3A_134 = vector.broadcast %broadcast_in_dim3A_133 : f32 to vector<16xf32>
    %swap3A_135 = arith.constant 272 : index
    %swap3A_136 = tpu.vector_load %arg10[%swap3A_135] {strides = array<i32>} : memref<512xf32, #tpu.memory_space<vmem>>, vector<16xf32>,
    %swap3A_137 = vector.shape_cast %swap3A_136 : vector<16xf32> to vector<16xf32>
    %swap3A_138 = vector.shape_cast %broadcast_in_dim3A_134 : vector<16xf32> to vector<16xf32>
    tpu.vector_store %arg10[%swap3A_135], %swap3A_138 {strides = array<i32>} : memref<512xf32, #tpu.memory_space<vmem>>, vector<16xf32>,
    %broadcast_in_dim3A_139 = arith.constant 0.000000e+00 : f32
    %broadcast_in_dim3A_140 = vector.broadcast %broadcast_in_dim3A_139 : f32 to vector<16xf32>
    %swap3A_141 = arith.constant 288 : index
    %swap3A_142 = tpu.vector_load %arg10[%swap3A_141] {strides = array<i32>} : memref<512xf32, #tpu.memory_space<vmem>>, vector<16xf32>,
    %swap3A_143 = vector.shape_cast %swap3A_142 : vector<16xf32> to vector<16xf32>
    %swap3A_144 = vector.shape_cast %broadcast_in_dim3A_140 : vector<16xf32> to vector<16xf32>
    tpu.vector_store %arg10[%swap3A_141], %swap3A_144 {strides = array<i32>} : memref<512xf32, #tpu.memory_space<vmem>>, vector<16xf32>,
    %broadcast_in_dim3A_145 = arith.constant 0.000000e+00 : f32
    %broadcast_in_dim3A_146 = vector.broadcast %broadcast_in_dim3A_145 : f32 to vector<16xf32>
    %swap3A_147 = arith.constant 304 : index
    %swap3A_148 = tpu.vector_load %arg10[%swap3A_147] {strides = array<i32>} : memref<512xf32, #tpu.memory_space<vmem>>, vector<16xf32>,
    %swap3A_149 = vector.shape_cast %swap3A_148 : vector<16xf32> to vector<16xf32>
    %swap3A_150 = vector.shape_cast %broadcast_in_dim3A_146 : vector<16xf32> to vector<16xf32>
    tpu.vector_store %arg10[%swap3A_147], %swap3A_150 {strides = array<i32>} : memref<512xf32, #tpu.memory_space<vmem>>, vector<16xf32>,
    %broadcast_in_dim3A_151 = arith.constant 0.000000e+00 : f32
    %broadcast_in_dim3A_152 = vector.broadcast %broadcast_in_dim3A_151 : f32 to vector<16xf32>
    %swap3A_153 = arith.constant 320 : index
    %swap3A_154 = tpu.vector_load %arg10[%swap3A_153] {strides = array<i32>} : memref<512xf32, #tpu.memory_space<vmem>>, vector<16xf32>,
    %swap3A_155 = vector.shape_cast %swap3A_154 : vector<16xf32> to vector<16xf32>
    %swap3A_156 = vector.shape_cast %broadcast_in_dim3A_152 : vector<16xf32> to vector<16xf32>
    tpu.vector_store %arg10[%swap3A_153], %swap3A_156 {strides = array<i32>} : memref<512xf32, #tpu.memory_space<vmem>>, vector<16xf32>,
    %broadcast_in_dim3A_157 = arith.constant 0.000000e+00 : f32
    %broadcast_in_dim3A_158 = vector.broadcast %broadcast_in_dim3A_157 : f32 to vector<16xf32>
    %swap3A_159 = arith.constant 336 : index
    %swap3A_160 = tpu.vector_load %arg10[%swap3A_159] {strides = array<i32>} : memref<512xf32, #tpu.memory_space<vmem>>, vector<16xf32>,
    %swap3A_161 = vector.shape_cast %swap3A_160 : vector<16xf32> to vector<16xf32>
    %swap3A_162 = vector.shape_cast %broadcast_in_dim3A_158 : vector<16xf32> to vector<16xf32>
    tpu.vector_store %arg10[%swap3A_159], %swap3A_162 {strides = array<i32>} : memref<512xf32, #tpu.memory_space<vmem>>, vector<16xf32>,
    %broadcast_in_dim3A_163 = arith.constant 0.000000e+00 : f32
    %broadcast_in_dim3A_164 = vector.broadcast %broadcast_in_dim3A_163 : f32 to vector<16xf32>
    %swap3A_165 = arith.constant 352 : index
    %swap3A_166 = tpu.vector_load %arg10[%swap3A_165] {strides = array<i32>} : memref<512xf32, #tpu.memory_space<vmem>>, vector<16xf32>,
    %swap3A_167 = vector.shape_cast %swap3A_166 : vector<16xf32> to vector<16xf32>
    %swap3A_168 = vector.shape_cast %broadcast_in_dim3A_164 : vector<16xf32> to vector<16xf32>
    tpu.vector_store %arg10[%swap3A_165], %swap3A_168 {strides = array<i32>} : memref<512xf32, #tpu.memory_space<vmem>>, vector<16xf32>,
    %broadcast_in_dim3A_169 = arith.constant 0.000000e+00 : f32
    %broadcast_in_dim3A_170 = vector.broadcast %broadcast_in_dim3A_169 : f32 to vector<16xf32>
    %swap3A_171 = arith.constant 368 : index
    %swap3A_172 = tpu.vector_load %arg10[%swap3A_171] {strides = array<i32>} : memref<512xf32, #tpu.memory_space<vmem>>, vector<16xf32>,
    %swap3A_173 = vector.shape_cast %swap3A_172 : vector<16xf32> to vector<16xf32>
    %swap3A_174 = vector.shape_cast %broadcast_in_dim3A_170 : vector<16xf32> to vector<16xf32>
    tpu.vector_store %arg10[%swap3A_171], %swap3A_174 {strides = array<i32>} : memref<512xf32, #tpu.memory_space<vmem>>, vector<16xf32>,
    %broadcast_in_dim3A_175 = arith.constant 0.000000e+00 : f32
    %broadcast_in_dim3A_176 = vector.broadcast %broadcast_in_dim3A_175 : f32 to vector<16xf32>
    %swap3A_177 = arith.constant 384 : index
    %swap3A_178 = tpu.vector_load %arg10[%swap3A_177] {strides = array<i32>} : memref<512xf32, #tpu.memory_space<vmem>>, vector<16xf32>,
    %swap3A_179 = vector.shape_cast %swap3A_178 : vector<16xf32> to vector<16xf32>
    %swap3A_180 = vector.shape_cast %broadcast_in_dim3A_176 : vector<16xf32> to vector<16xf32>
    tpu.vector_store %arg10[%swap3A_177], %swap3A_180 {strides = array<i32>} : memref<512xf32, #tpu.memory_space<vmem>>, vector<16xf32>,
    %broadcast_in_dim3A_181 = arith.constant 0.000000e+00 : f32
    %broadcast_in_dim3A_182 = vector.broadcast %broadcast_in_dim3A_181 : f32 to vector<16xf32>
    %swap3A_183 = arith.constant 400 : index
    %swap3A_184 = tpu.vector_load %arg10[%swap3A_183] {strides = array<i32>} : memref<512xf32, #tpu.memory_space<vmem>>, vector<16xf32>,
    %swap3A_185 = vector.shape_cast %swap3A_184 : vector<16xf32> to vector<16xf32>
    %swap3A_186 = vector.shape_cast %broadcast_in_dim3A_182 : vector<16xf32> to vector<16xf32>
    tpu.vector_store %arg10[%swap3A_183], %swap3A_186 {strides = array<i32>} : memref<512xf32, #tpu.memory_space<vmem>>, vector<16xf32>,
    %broadcast_in_dim3A_187 = arith.constant 0.000000e+00 : f32
    %broadcast_in_dim3A_188 = vector.broadcast %broadcast_in_dim3A_187 : f32 to vector<16xf32>
    %swap3A_189 = arith.constant 416 : index
    %swap3A_190 = tpu.vector_load %arg10[%swap3A_189] {strides = array<i32>} : memref<512xf32, #tpu.memory_space<vmem>>, vector<16xf32>,
    %swap3A_191 = vector.shape_cast %swap3A_190 : vector<16xf32> to vector<16xf32>
    %swap3A_192 = vector.shape_cast %broadcast_in_dim3A_188 : vector<16xf32> to vector<16xf32>
    tpu.vector_store %arg10[%swap3A_189], %swap3A_192 {strides = array<i32>} : memref<512xf32, #tpu.memory_space<vmem>>, vector<16xf32>,
    %broadcast_in_dim3A_193 = arith.constant 0.000000e+00 : f32
    %broadcast_in_dim3A_194 = vector.broadcast %broadcast_in_dim3A_193 : f32 to vector<16xf32>
    %swap3A_195 = arith.constant 432 : index
    %swap3A_196 = tpu.vector_load %arg10[%swap3A_195] {strides = array<i32>} : memref<512xf32, #tpu.memory_space<vmem>>, vector<16xf32>,
    %swap3A_197 = vector.shape_cast %swap3A_196 : vector<16xf32> to vector<16xf32>
    %swap3A_198 = vector.shape_cast %broadcast_in_dim3A_194 : vector<16xf32> to vector<16xf32>
    tpu.vector_store %arg10[%swap3A_195], %swap3A_198 {strides = array<i32>} : memref<512xf32, #tpu.memory_space<vmem>>, vector<16xf32>,
    %broadcast_in_dim3A_199 = arith.constant 0.000000e+00 : f32
    %broadcast_in_dim3A_200 = vector.broadcast %broadcast_in_dim3A_199 : f32 to vector<16xf32>
    %swap3A_201 = arith.constant 448 : index
    %swap3A_202 = tpu.vector_load %arg10[%swap3A_201] {strides = array<i32>} : memref<512xf32, #tpu.memory_space<vmem>>, vector<16xf32>,
    %swap3A_203 = vector.shape_cast %swap3A_202 : vector<16xf32> to vector<16xf32>
    %swap3A_204 = vector.shape_cast %broadcast_in_dim3A_200 : vector<16xf32> to vector<16xf32>
    tpu.vector_store %arg10[%swap3A_201], %swap3A_204 {strides = array<i32>} : memref<512xf32, #tpu.memory_space<vmem>>, vector<16xf32>,
    %broadcast_in_dim3A_205 = arith.constant 0.000000e+00 : f32
    %broadcast_in_dim3A_206 = vector.broadcast %broadcast_in_dim3A_205 : f32 to vector<16xf32>
    %swap3A_207 = arith.constant 464 : index
    %swap3A_208 = tpu.vector_load %arg10[%swap3A_207] {strides = array<i32>} : memref<512xf32, #tpu.memory_space<vmem>>, vector<16xf32>,
    %swap3A_209 = vector.shape_cast %swap3A_208 : vector<16xf32> to vector<16xf32>
    %swap3A_210 = vector.shape_cast %broadcast_in_dim3A_206 : vector<16xf32> to vector<16xf32>
    tpu.vector_store %arg10[%swap3A_207], %swap3A_210 {strides = array<i32>} : memref<512xf32, #tpu.memory_space<vmem>>, vector<16xf32>,
    %broadcast_in_dim3A_211 = arith.constant 0.000000e+00 : f32
    %broadcast_in_dim3A_212 = vector.broadcast %broadcast_in_dim3A_211 : f32 to vector<16xf32>
    %swap3A_213 = arith.constant 480 : index
    %swap3A_214 = tpu.vector_load %arg10[%swap3A_213] {strides = array<i32>} : memref<512xf32, #tpu.memory_space<vmem>>, vector<16xf32>,
    %swap3A_215 = vector.shape_cast %swap3A_214 : vector<16xf32> to vector<16xf32>
    %swap3A_216 = vector.shape_cast %broadcast_in_dim3A_212 : vector<16xf32> to vector<16xf32>
    tpu.vector_store %arg10[%swap3A_213], %swap3A_216 {strides = array<i32>} : memref<512xf32, #tpu.memory_space<vmem>>, vector<16xf32>,
    %broadcast_in_dim3A_217 = arith.constant 0.000000e+00 : f32
    %broadcast_in_dim3A_218 = vector.broadcast %broadcast_in_dim3A_217 : f32 to vector<16xf32>
    %swap3A_219 = arith.constant 496 : index
    %swap3A_220 = tpu.vector_load %arg10[%swap3A_219] {strides = array<i32>} : memref<512xf32, #tpu.memory_space<vmem>>, vector<16xf32>,
    %swap3A_221 = vector.shape_cast %swap3A_220 : vector<16xf32> to vector<16xf32>
    %swap3A_222 = vector.shape_cast %broadcast_in_dim3A_218 : vector<16xf32> to vector<16xf32>
    tpu.vector_store %arg10[%swap3A_219], %swap3A_222 {strides = array<i32>} : memref<512xf32, #tpu.memory_space<vmem>>, vector<16xf32>,
    %get3A_223 = arith.index_cast %select_n3A : i32 to index
    %get3A_224 = tpu.vector_load %arg12[%get3A_223] {strides = array<i32>} : memref<32xi32, #tpu.memory_space<vmem>>, vector<16xi32>,
    %get3A_225 = vector.shape_cast %get3A_224 : vector<16xi32> to vector<16xi32>
    %slice3A = vector.extract_strided_slice %get3A_225 {offsets = [0], sizes = [1], strides = [1]} : vector<16xi32> to vector<1xi32>
    %squeeze3A = vector.extract %slice3A[0] : i32 from vector<1xi32>
    %min3A = arith.constant 32768 : i32
    %min3A_226 = arith.minsi %squeeze3A, %min3A : i32
    %eq3A_227 = arith.constant 0 : i32
    %eq3A_228 = arith.cmpi eq, %select_n3A, %eq3A_227 : i32
    %sub3A_229 = arith.constant 1 : i32
    %sub3A_230 = arith.subi %select_n3A, %sub3A_229 : i32
    %max3A = arith.constant 0 : i32
    %max3A_231 = arith.maxsi %sub3A_230, %max3A : i32
    %get3A_232 = arith.index_cast %max3A_231 : i32 to index
    %get3A_233 = tpu.vector_load %arg12[%get3A_232] {strides = array<i32>} : memref<32xi32, #tpu.memory_space<vmem>>, vector<16xi32>,
    %get3A_234 = vector.shape_cast %get3A_233 : vector<16xi32> to vector<16xi32>
    %slice3A_235 = vector.extract_strided_slice %get3A_234 {offsets = [0], sizes = [1], strides = [1]} : vector<16xi32> to vector<1xi32>
    %squeeze3A_236 = vector.extract %slice3A_235[0] : i32 from vector<1xi32>
    %min3A_237 = arith.constant 32768 : i32
    %min3A_238 = arith.minsi %squeeze3A_236, %min3A_237 : i32
    %jit3A_239 = arith.constant 0 : i32
    %select_n3A_240 = arith.select %eq3A_228, %jit3A_239, %min3A_238 : i32
    %sub3A_241 = arith.subi %min3A_226, %select_n3A_240 : i32
    %add3A_242 = arith.constant 1 : i32
    %add3A_243 = arith.addi %sub3A_241, %add3A_242 : i32
    %jit3A_244 = arith.constant 2 : i32
    %div3A_245 = arith.divsi %add3A_243, %jit3A_244 : i32
    %sign3A_246 = arith.constant 0 : i32
    %sign3A_247 = arith.cmpi sgt, %add3A_243, %sign3A_246 : i32
    %sign3A_248 = arith.extui %sign3A_247 : i1 to i32
    %sign3A_249 = arith.constant 0 : i32
    %sign3A_250 = arith.cmpi slt, %add3A_243, %sign3A_249 : i32
    %sign3A_251 = arith.extui %sign3A_250 : i1 to i32
    %sign3A_252 = arith.subi %sign3A_248, %sign3A_251 : i32
    %sign3A_253 = arith.constant 0 : i32
    %sign3A_254 = arith.cmpi sgt, %jit3A_244, %sign3A_253 : i32
    %sign3A_255 = arith.extui %sign3A_254 : i1 to i32
    %sign3A_256 = arith.constant 0 : i32
    %sign3A_257 = arith.cmpi slt, %jit3A_244, %sign3A_256 : i32
    %sign3A_258 = arith.extui %sign3A_257 : i1 to i32
    %sign3A_259 = arith.subi %sign3A_255, %sign3A_258 : i32
    %ne3A_260 = arith.cmpi ne, %sign3A_252, %sign3A_259 : i32
    %rem3A_261 = arith.remsi %add3A_243, %jit3A_244 : i32
    %ne3A_262 = arith.constant 0 : i32
    %ne3A_263 = arith.cmpi ne, %rem3A_261, %ne3A_262 : i32
    %and3A_264 = arith.andi %ne3A_260, %ne3A_263 : i1
    %sub3A_265 = arith.constant 1 : i32
    %sub3A_266 = arith.subi %div3A_245, %sub3A_265 : i32
    %select_n3A_267 = arith.select %and3A_264, %sub3A_266, %div3A_245 : i32
    %mul3A_268 = arith.muli %select_n3A_30, %select_n3A_267 : i32
    %add3A_269 = arith.addi %select_n3A_240, %mul3A_268 : i32
    %add3A_270 = arith.addi %add3A_269, %select_n3A_267 : i32
    %min3A_271 = arith.minsi %min3A_226, %add3A_270 : i32
    %jit3A_272 = arith.constant 64 : i32
    %div3A_273 = arith.divsi %add3A_269, %jit3A_272 : i32
    %sign3A_274 = arith.constant 0 : i32
    %sign3A_275 = arith.cmpi sgt, %add3A_269, %sign3A_274 : i32
    %sign3A_276 = arith.extui %sign3A_275 : i1 to i32
    %sign3A_277 = arith.constant 0 : i32
    %sign3A_278 = arith.cmpi slt, %add3A_269, %sign3A_277 : i32
    %sign3A_279 = arith.extui %sign3A_278 : i1 to i32
    %sign3A_280 = arith.subi %sign3A_276, %sign3A_279 : i32
    %sign3A_281 = arith.constant 0 : i32
    %sign3A_282 = arith.cmpi sgt, %jit3A_272, %sign3A_281 : i32
    %sign3A_283 = arith.extui %sign3A_282 : i1 to i32
    %sign3A_284 = arith.constant 0 : i32
    %sign3A_285 = arith.cmpi slt, %jit3A_272, %sign3A_284 : i32
    %sign3A_286 = arith.extui %sign3A_285 : i1 to i32
    %sign3A_287 = arith.subi %sign3A_283, %sign3A_286 : i32
    %ne3A_288 = arith.cmpi ne, %sign3A_280, %sign3A_287 : i32
    %rem3A_289 = arith.remsi %add3A_269, %jit3A_272 : i32
    %ne3A_290 = arith.constant 0 : i32
    %ne3A_291 = arith.cmpi ne, %rem3A_289, %ne3A_290 : i32
    %and3A_292 = arith.andi %ne3A_288, %ne3A_291 : i1
    %sub3A_293 = arith.constant 1 : i32
    %sub3A_294 = arith.subi %div3A_273, %sub3A_293 : i32
    %select_n3A_295 = arith.select %and3A_292, %sub3A_294, %div3A_273 : i32
    %scan3A = arith.constant 0 : i32
    %scan3A_296 = arith.constant 0 : i32
    %scan3A_297 = arith.constant 33 : i32
    %scan3A_298 = arith.addi %scan3A_296, %scan3A_297 : i32
    %scan3A_299 = arith.constant 1 : i32
    %scan3A_300 = scf.for %scan3A_302 = %scan3A_296 to %scan3A_298 step %scan3A_299 iter_args(%scan3A_303 = %scan3A) -> (i32)  : i32 {
      %add3A_304 = arith.addi %select_n3A_295, %scan3A_302 : i32
      %mul3A_305 = arith.constant 64 : i32
      %mul3A_306 = arith.muli %add3A_304, %mul3A_305 : i32
      %lt3A_307 = arith.cmpi slt, %mul3A_306, %min3A_271 : i32
      %convert_element_type3A = arith.extui %lt3A_307 : i1 to i32
      %cond3A = arith.constant 0 : i32
      %cond3A_308 = arith.cmpi ne, %convert_element_type3A, %cond3A : i32
      scf.if %cond3A_308 {
        "tpu.region"() ({
          %run_scoped3A = tpu.sem_alloc : memref<!tpu.dma_semaphore, #tpu.memory_space<semaphore_mem>>
          %dma_start3A = arith.constant 0 : i32
          %dma_start3A_352 = tpu.memref_slice %arg2[%mul3A_306, %dma_start3A] : memref<32768x512xf32, #tpu.memory_space<hbm>> -> memref<64x512xf32, #tpu.memory_space<hbm>>
          %dma_start3A_353 = arith.constant 0 : i32
          %dma_start3A_354 = tpu.memref_slice %arg2[%mul3A_306, %dma_start3A_353] : memref<32768x512xf32, #tpu.memory_space<hbm>> -> memref<64x512xf32, #tpu.memory_space<hbm>>
          tpu.enqueue_dma source(%dma_start3A_354 : memref<64x512xf32, #tpu.memory_space<hbm>>) target(%arg7 : memref<64x512xf32, #tpu.memory_space<vmem>>) target_semaphore(%run_scoped3A : memref<!tpu.dma_semaphore, #tpu.memory_space<semaphore_mem>>)
          %dma_wait3A = arith.constant 0 : i32
          %dma_wait3A_355 = tpu.memref_slice %arg2[%mul3A_306, %dma_wait3A] : memref<32768x512xf32, #tpu.memory_space<hbm>> -> memref<64x512xf32, #tpu.memory_space<hbm>>
          %dma_wait3A_356 = arith.constant 0 : i32
          %dma_wait3A_357 = tpu.memref_slice %arg2[%mul3A_306, %dma_wait3A_356] : memref<32768x512xf32, #tpu.memory_space<hbm>> -> memref<64x512xf32, #tpu.memory_space<hbm>>
          tpu.wait_dma2 semaphore(%run_scoped3A : memref<!tpu.dma_semaphore, #tpu.memory_space<semaphore_mem>>) src(%dma_wait3A_357 : memref<64x512xf32, #tpu.memory_space<hbm>>) dst(%arg7 : memref<64x512xf32, #tpu.memory_space<vmem>>)
          tpu.yield
        }) : () -> ()
        "tpu.region"() ({
          %run_scoped3A = tpu.sem_alloc : memref<!tpu.dma_semaphore, #tpu.memory_space<semaphore_mem>>
          %dma_start3A = tpu.memref_slice %arg3[%mul3A_306] : memref<32768xf32, #tpu.memory_space<hbm>> -> memref<64xf32, #tpu.memory_space<hbm>>
          %dma_start3A_352 = tpu.memref_slice %arg3[%mul3A_306] : memref<32768xf32, #tpu.memory_space<hbm>> -> memref<64xf32, #tpu.memory_space<hbm>>
          tpu.enqueue_dma source(%dma_start3A_352 : memref<64xf32, #tpu.memory_space<hbm>>) target(%arg8 : memref<64xf32, #tpu.memory_space<vmem>>) target_semaphore(%run_scoped3A : memref<!tpu.dma_semaphore, #tpu.memory_space<semaphore_mem>>)
          %dma_wait3A = tpu.memref_slice %arg3[%mul3A_306] : memref<32768xf32, #tpu.memory_space<hbm>> -> memref<64xf32, #tpu.memory_space<hbm>>
          %dma_wait3A_353 = tpu.memref_slice %arg3[%mul3A_306] : memref<32768xf32, #tpu.memory_space<hbm>> -> memref<64xf32, #tpu.memory_space<hbm>>
          tpu.wait_dma2 semaphore(%run_scoped3A : memref<!tpu.dma_semaphore, #tpu.memory_space<semaphore_mem>>) src(%dma_wait3A_353 : memref<64xf32, #tpu.memory_space<hbm>>) dst(%arg8 : memref<64xf32, #tpu.memory_space<vmem>>)
          tpu.yield
        }) : () -> ()
        %get3A_310 = arith.constant 0 : index
        %get3A_311 = tpu.vector_load %arg8[%get3A_310] {strides = array<i32>} : memref<64xf32, #tpu.memory_space<vmem>>, vector<16xf32>,
        %get3A_312 = vector.shape_cast %get3A_311 : vector<16xf32> to vector<16xf32>
        %sub3A_313 = arith.subf %get3A_312, %get3A_32 : vector<16xf32>
        %exp3A = math.exp %sub3A_313 : vector<16xf32>
        %swap3A_314 = arith.constant 0 : index
        %swap3A_315 = tpu.vector_load %arg9[%swap3A_314] {strides = array<i32>} : memref<80xf32, #tpu.memory_space<vmem>>, vector<16xf32>,
        %swap3A_316 = vector.shape_cast %swap3A_315 : vector<16xf32> to vector<16xf32>
        %swap3A_317 = vector.shape_cast %exp3A : vector<16xf32> to vector<16xf32>
        tpu.vector_store %arg9[%swap3A_314], %swap3A_317 {strides = array<i32>} : memref<80xf32, #tpu.memory_space<vmem>>, vector<16xf32>,
        %get3A_318 = arith.constant 16 : index
        %get3A_319 = tpu.vector_load %arg8[%get3A_318] {strides = array<i32>} : memref<64xf32, #tpu.memory_space<vmem>>, vector<16xf32>,
        %get3A_320 = vector.shape_cast %get3A_319 : vector<16xf32> to vector<16xf32>
        %sub3A_321 = arith.subf %get3A_320, %get3A_32 : vector<16xf32>
        %exp3A_322 = math.exp %sub3A_321 : vector<16xf32>
        %swap3A_323 = arith.constant 16 : index
        %swap3A_324 = tpu.vector_load %arg9[%swap3A_323] {strides = array<i32>} : memref<80xf32, #tpu.memory_space<vmem>>, vector<16xf32>,
        %swap3A_325 = vector.shape_cast %swap3A_324 : vector<16xf32> to vector<16xf32>
        %swap3A_326 = vector.shape_cast %exp3A_322 : vector<16xf32> to vector<16xf32>
        tpu.vector_store %arg9[%swap3A_323], %swap3A_326 {strides = array<i32>} : memref<80xf32, #tpu.memory_space<vmem>>, vector<16xf32>,
        %get3A_327 = arith.constant 32 : index
        %get3A_328 = tpu.vector_load %arg8[%get3A_327] {strides = array<i32>} : memref<64xf32, #tpu.memory_space<vmem>>, vector<16xf32>,
        %get3A_329 = vector.shape_cast %get3A_328 : vector<16xf32> to vector<16xf32>
        %sub3A_330 = arith.subf %get3A_329, %get3A_32 : vector<16xf32>
        %exp3A_331 = math.exp %sub3A_330 : vector<16xf32>
        %swap3A_332 = arith.constant 32 : index
        %swap3A_333 = tpu.vector_load %arg9[%swap3A_332] {strides = array<i32>} : memref<80xf32, #tpu.memory_space<vmem>>, vector<16xf32>,
        %swap3A_334 = vector.shape_cast %swap3A_333 : vector<16xf32> to vector<16xf32>
        %swap3A_335 = vector.shape_cast %exp3A_331 : vector<16xf32> to vector<16xf32>
        tpu.vector_store %arg9[%swap3A_332], %swap3A_335 {strides = array<i32>} : memref<80xf32, #tpu.memory_space<vmem>>, vector<16xf32>,
        %get3A_336 = arith.constant 48 : index
        %get3A_337 = tpu.vector_load %arg8[%get3A_336] {strides = array<i32>} : memref<64xf32, #tpu.memory_space<vmem>>, vector<16xf32>,
        %get3A_338 = vector.shape_cast %get3A_337 : vector<16xf32> to vector<16xf32>
        %sub3A_339 = arith.subf %get3A_338, %get3A_32 : vector<16xf32>
        %exp3A_340 = math.exp %sub3A_339 : vector<16xf32>
        %swap3A_341 = arith.constant 48 : index
        %swap3A_342 = tpu.vector_load %arg9[%swap3A_341] {strides = array<i32>} : memref<80xf32, #tpu.memory_space<vmem>>, vector<16xf32>,
        %swap3A_343 = vector.shape_cast %swap3A_342 : vector<16xf32> to vector<16xf32>
        %swap3A_344 = vector.shape_cast %exp3A_340 : vector<16xf32> to vector<16xf32>
        tpu.vector_store %arg9[%swap3A_341], %swap3A_344 {strides = array<i32>} : memref<80xf32, #tpu.memory_space<vmem>>, vector<16xf32>,
        %scan3A_345 = arith.constant 0 : i32
        %scan3A_346 = arith.constant 0 : i32
        %scan3A_347 = arith.constant 64 : i32
        %scan3A_348 = arith.addi %scan3A_346, %scan3A_347 : i32
        %scan3A_349 = arith.constant 1 : i32
        %scan3A_350 = scf.for %scan3A_352 = %scan3A_346 to %scan3A_348 step %scan3A_349 iter_args(%scan3A_353 = %scan3A_345) -> (i32)  : i32 {
          %add3A_354 = arith.addi %mul3A_306, %scan3A_352 : i32
          %ge3A = arith.cmpi sge, %add3A_354, %add3A_269 : i32
          %lt3A_355 = arith.cmpi slt, %add3A_354, %min3A_271 : i32
          %and3A_356 = arith.andi %ge3A, %lt3A_355 : i1
          %get3A_357 = arith.index_cast %scan3A_352 : i32 to index
          %get3A_358 = tpu.vector_load %arg9[%get3A_357] {strides = array<i32>} : memref<80xf32, #tpu.memory_space<vmem>>, vector<16xf32>,
          %get3A_359 = vector.shape_cast %get3A_358 : vector<16xf32> to vector<16xf32>
          %slice3A_360 = vector.extract_strided_slice %get3A_359 {offsets = [0], sizes = [1], strides = [1]} : vector<16xf32> to vector<1xf32>
          %squeeze3A_361 = vector.extract %slice3A_360[0] : f32 from vector<1xf32>
          %jit3A_362 = arith.constant 0.000000e+00 : f32
          %select_n3A_363 = arith.select %and3A_356, %squeeze3A_361, %jit3A_362 : f32
          %get3A_364 = arith.index_cast %scan3A_352 : i32 to index
          %get3A_365 = arith.constant 0 : index
          %get3A_366 = tpu.vector_load %arg7[%get3A_364, %get3A_365] {strides = array<i32>} : memref<64x512xf32, #tpu.memory_space<vmem>>, vector<1x16xf32>,
          %get3A_367 = vector.shape_cast %get3A_366 : vector<1x16xf32> to vector<16xf32>
          %mul3A_368 = vector.broadcast %select_n3A_363 : f32 to vector<16xf32>
          %mul3A_369 = arith.mulf %get3A_367, %mul3A_368 : vector<16xf32>
          %swap3A_370 = arith.constant 0 : index
          %swap3A_371 = tpu.vector_load %arg10[%swap3A_370] {strides = array<i32>} : memref<512xf32, #tpu.memory_space<vmem>>, vector<16xf32>,
          %swap3A_372 = vector.shape_cast %swap3A_371 : vector<16xf32> to vector<16xf32>
          %swap3A_373 = vector.shape_cast %mul3A_369 : vector<16xf32> to vector<16xf32>
          tpu.vector_store %arg10[%swap3A_370], %swap3A_373 {add = true, strides = array<i32>} : memref<512xf32, #tpu.memory_space<vmem>>, vector<16xf32>,
          %get3A_374 = arith.index_cast %scan3A_352 : i32 to index
          %get3A_375 = arith.constant 16 : index
          %get3A_376 = tpu.vector_load %arg7[%get3A_374, %get3A_375] {strides = array<i32>} : memref<64x512xf32, #tpu.memory_space<vmem>>, vector<1x16xf32>,
          %get3A_377 = vector.shape_cast %get3A_376 : vector<1x16xf32> to vector<16xf32>
          %mul3A_378 = vector.broadcast %select_n3A_363 : f32 to vector<16xf32>
          %mul3A_379 = arith.mulf %get3A_377, %mul3A_378 : vector<16xf32>
          %swap3A_380 = arith.constant 16 : index
          %swap3A_381 = tpu.vector_load %arg10[%swap3A_380] {strides = array<i32>} : memref<512xf32, #tpu.memory_space<vmem>>, vector<16xf32>,
          %swap3A_382 = vector.shape_cast %swap3A_381 : vector<16xf32> to vector<16xf32>
          %swap3A_383 = vector.shape_cast %mul3A_379 : vector<16xf32> to vector<16xf32>
          tpu.vector_store %arg10[%swap3A_380], %swap3A_383 {add = true, strides = array<i32>} : memref<512xf32, #tpu.memory_space<vmem>>, vector<16xf32>,
          %get3A_384 = arith.index_cast %scan3A_352 : i32 to index
          %get3A_385 = arith.constant 32 : index
          %get3A_386 = tpu.vector_load %arg7[%get3A_384, %get3A_385] {strides = array<i32>} : memref<64x512xf32, #tpu.memory_space<vmem>>, vector<1x16xf32>,
          %get3A_387 = vector.shape_cast %get3A_386 : vector<1x16xf32> to vector<16xf32>
          %mul3A_388 = vector.broadcast %select_n3A_363 : f32 to vector<16xf32>
          %mul3A_389 = arith.mulf %get3A_387, %mul3A_388 : vector<16xf32>
          %swap3A_390 = arith.constant 32 : index
          %swap3A_391 = tpu.vector_load %arg10[%swap3A_390] {strides = array<i32>} : memref<512xf32, #tpu.memory_space<vmem>>, vector<16xf32>,
          %swap3A_392 = vector.shape_cast %swap3A_391 : vector<16xf32> to vector<16xf32>
          %swap3A_393 = vector.shape_cast %mul3A_389 : vector<16xf32> to vector<16xf32>
          tpu.vector_store %arg10[%swap3A_390], %swap3A_393 {add = true, strides = array<i32>} : memref<512xf32, #tpu.memory_space<vmem>>, vector<16xf32>,
          %get3A_394 = arith.index_cast %scan3A_352 : i32 to index
          %get3A_395 = arith.constant 48 : index
          %get3A_396 = tpu.vector_load %arg7[%get3A_394, %get3A_395] {strides = array<i32>} : memref<64x512xf32, #tpu.memory_space<vmem>>, vector<1x16xf32>,
          %get3A_397 = vector.shape_cast %get3A_396 : vector<1x16xf32> to vector<16xf32>
          %mul3A_398 = vector.broadcast %select_n3A_363 : f32 to vector<16xf32>
          %mul3A_399 = arith.mulf %get3A_397, %mul3A_398 : vector<16xf32>
          %swap3A_400 = arith.constant 48 : index
          %swap3A_401 = tpu.vector_load %arg10[%swap3A_400] {strides = array<i32>} : memref<512xf32, #tpu.memory_space<vmem>>, vector<16xf32>,
          %swap3A_402 = vector.shape_cast %swap3A_401 : vector<16xf32> to vector<16xf32>
          %swap3A_403 = vector.shape_cast %mul3A_399 : vector<16xf32> to vector<16xf32>
          tpu.vector_store %arg10[%swap3A_400], %swap3A_403 {add = true, strides = array<i32>} : memref<512xf32, #tpu.memory_space<vmem>>, vector<16xf32>,
          %get3A_404 = arith.index_cast %scan3A_352 : i32 to index
          %get3A_405 = arith.constant 64 : index
          %get3A_406 = tpu.vector_load %arg7[%get3A_404, %get3A_405] {strides = array<i32>} : memref<64x512xf32, #tpu.memory_space<vmem>>, vector<1x16xf32>,
          %get3A_407 = vector.shape_cast %get3A_406 : vector<1x16xf32> to vector<16xf32>
          %mul3A_408 = vector.broadcast %select_n3A_363 : f32 to vector<16xf32>
          %mul3A_409 = arith.mulf %get3A_407, %mul3A_408 : vector<16xf32>
          %swap3A_410 = arith.constant 64 : index
          %swap3A_411 = tpu.vector_load %arg10[%swap3A_410] {strides = array<i32>} : memref<512xf32, #tpu.memory_space<vmem>>, vector<16xf32>,
          %swap3A_412 = vector.shape_cast %swap3A_411 : vector<16xf32> to vector<16xf32>
          %swap3A_413 = vector.shape_cast %mul3A_409 : vector<16xf32> to vector<16xf32>
          tpu.vector_store %arg10[%swap3A_410], %swap3A_413 {add = true, strides = array<i32>} : memref<512xf32, #tpu.memory_space<vmem>>, vector<16xf32>,
          %get3A_414 = arith.index_cast %scan3A_352 : i32 to index
          %get3A_415 = arith.constant 80 : index
          %get3A_416 = tpu.vector_load %arg7[%get3A_414, %get3A_415] {strides = array<i32>} : memref<64x512xf32, #tpu.memory_space<vmem>>, vector<1x16xf32>,
          %get3A_417 = vector.shape_cast %get3A_416 : vector<1x16xf32> to vector<16xf32>
          %mul3A_418 = vector.broadcast %select_n3A_363 : f32 to vector<16xf32>
          %mul3A_419 = arith.mulf %get3A_417, %mul3A_418 : vector<16xf32>
          %swap3A_420 = arith.constant 80 : index
          %swap3A_421 = tpu.vector_load %arg10[%swap3A_420] {strides = array<i32>} : memref<512xf32, #tpu.memory_space<vmem>>, vector<16xf32>,
          %swap3A_422 = vector.shape_cast %swap3A_421 : vector<16xf32> to vector<16xf32>
          %swap3A_423 = vector.shape_cast %mul3A_419 : vector<16xf32> to vector<16xf32>
          tpu.vector_store %arg10[%swap3A_420], %swap3A_423 {add = true, strides = array<i32>} : memref<512xf32, #tpu.memory_space<vmem>>, vector<16xf32>,
          %get3A_424 = arith.index_cast %scan3A_352 : i32 to index
          %get3A_425 = arith.constant 96 : index
          %get3A_426 = tpu.vector_load %arg7[%get3A_424, %get3A_425] {strides = array<i32>} : memref<64x512xf32, #tpu.memory_space<vmem>>, vector<1x16xf32>,
          %get3A_427 = vector.shape_cast %get3A_426 : vector<1x16xf32> to vector<16xf32>
          %mul3A_428 = vector.broadcast %select_n3A_363 : f32 to vector<16xf32>
          %mul3A_429 = arith.mulf %get3A_427, %mul3A_428 : vector<16xf32>
          %swap3A_430 = arith.constant 96 : index
          %swap3A_431 = tpu.vector_load %arg10[%swap3A_430] {strides = array<i32>} : memref<512xf32, #tpu.memory_space<vmem>>, vector<16xf32>,
          %swap3A_432 = vector.shape_cast %swap3A_431 : vector<16xf32> to vector<16xf32>
          %swap3A_433 = vector.shape_cast %mul3A_429 : vector<16xf32> to vector<16xf32>
          tpu.vector_store %arg10[%swap3A_430], %swap3A_433 {add = true, strides = array<i32>} : memref<512xf32, #tpu.memory_space<vmem>>, vector<16xf32>,
          %get3A_434 = arith.index_cast %scan3A_352 : i32 to index
          %get3A_435 = arith.constant 112 : index
          %get3A_436 = tpu.vector_load %arg7[%get3A_434, %get3A_435] {strides = array<i32>} : memref<64x512xf32, #tpu.memory_space<vmem>>, vector<1x16xf32>,
          %get3A_437 = vector.shape_cast %get3A_436 : vector<1x16xf32> to vector<16xf32>
          %mul3A_438 = vector.broadcast %select_n3A_363 : f32 to vector<16xf32>
          %mul3A_439 = arith.mulf %get3A_437, %mul3A_438 : vector<16xf32>
          %swap3A_440 = arith.constant 112 : index
          %swap3A_441 = tpu.vector_load %arg10[%swap3A_440] {strides = array<i32>} : memref<512xf32, #tpu.memory_space<vmem>>, vector<16xf32>,
          %swap3A_442 = vector.shape_cast %swap3A_441 : vector<16xf32> to vector<16xf32>
          %swap3A_443 = vector.shape_cast %mul3A_439 : vector<16xf32> to vector<16xf32>
          tpu.vector_store %arg10[%swap3A_440], %swap3A_443 {add = true, strides = array<i32>} : memref<512xf32, #tpu.memory_space<vmem>>, vector<16xf32>,
          %get3A_444 = arith.index_cast %scan3A_352 : i32 to index
          %get3A_445 = arith.constant 128 : index
          %get3A_446 = tpu.vector_load %arg7[%get3A_444, %get3A_445] {strides = array<i32>} : memref<64x512xf32, #tpu.memory_space<vmem>>, vector<1x16xf32>,
          %get3A_447 = vector.shape_cast %get3A_446 : vector<1x16xf32> to vector<16xf32>
          %mul3A_448 = vector.broadcast %select_n3A_363 : f32 to vector<16xf32>
          %mul3A_449 = arith.mulf %get3A_447, %mul3A_448 : vector<16xf32>
          %swap3A_450 = arith.constant 128 : index
          %swap3A_451 = tpu.vector_load %arg10[%swap3A_450] {strides = array<i32>} : memref<512xf32, #tpu.memory_space<vmem>>, vector<16xf32>,
          %swap3A_452 = vector.shape_cast %swap3A_451 : vector<16xf32> to vector<16xf32>
          %swap3A_453 = vector.shape_cast %mul3A_449 : vector<16xf32> to vector<16xf32>
          tpu.vector_store %arg10[%swap3A_450], %swap3A_453 {add = true, strides = array<i32>} : memref<512xf32, #tpu.memory_space<vmem>>, vector<16xf32>,
          %get3A_454 = arith.index_cast %scan3A_352 : i32 to index
          %get3A_455 = arith.constant 144 : index
          %get3A_456 = tpu.vector_load %arg7[%get3A_454, %get3A_455] {strides = array<i32>} : memref<64x512xf32, #tpu.memory_space<vmem>>, vector<1x16xf32>,
          %get3A_457 = vector.shape_cast %get3A_456 : vector<1x16xf32> to vector<16xf32>
          %mul3A_458 = vector.broadcast %select_n3A_363 : f32 to vector<16xf32>
          %mul3A_459 = arith.mulf %get3A_457, %mul3A_458 : vector<16xf32>
          %swap3A_460 = arith.constant 144 : index
          %swap3A_461 = tpu.vector_load %arg10[%swap3A_460] {strides = array<i32>} : memref<512xf32, #tpu.memory_space<vmem>>, vector<16xf32>,
          %swap3A_462 = vector.shape_cast %swap3A_461 : vector<16xf32> to vector<16xf32>
          %swap3A_463 = vector.shape_cast %mul3A_459 : vector<16xf32> to vector<16xf32>
          tpu.vector_store %arg10[%swap3A_460], %swap3A_463 {add = true, strides = array<i32>} : memref<512xf32, #tpu.memory_space<vmem>>, vector<16xf32>,
          %get3A_464 = arith.index_cast %scan3A_352 : i32 to index
          %get3A_465 = arith.constant 160 : index
          %get3A_466 = tpu.vector_load %arg7[%get3A_464, %get3A_465] {strides = array<i32>} : memref<64x512xf32, #tpu.memory_space<vmem>>, vector<1x16xf32>,
          %get3A_467 = vector.shape_cast %get3A_466 : vector<1x16xf32> to vector<16xf32>
          %mul3A_468 = vector.broadcast %select_n3A_363 : f32 to vector<16xf32>
          %mul3A_469 = arith.mulf %get3A_467, %mul3A_468 : vector<16xf32>
          %swap3A_470 = arith.constant 160 : index
          %swap3A_471 = tpu.vector_load %arg10[%swap3A_470] {strides = array<i32>} : memref<512xf32, #tpu.memory_space<vmem>>, vector<16xf32>,
          %swap3A_472 = vector.shape_cast %swap3A_471 : vector<16xf32> to vector<16xf32>
          %swap3A_473 = vector.shape_cast %mul3A_469 : vector<16xf32> to vector<16xf32>
          tpu.vector_store %arg10[%swap3A_470], %swap3A_473 {add = true, strides = array<i32>} : memref<512xf32, #tpu.memory_space<vmem>>, vector<16xf32>,
          %get3A_474 = arith.index_cast %scan3A_352 : i32 to index
          %get3A_475 = arith.constant 176 : index
          %get3A_476 = tpu.vector_load %arg7[%get3A_474, %get3A_475] {strides = array<i32>} : memref<64x512xf32, #tpu.memory_space<vmem>>, vector<1x16xf32>,
          %get3A_477 = vector.shape_cast %get3A_476 : vector<1x16xf32> to vector<16xf32>
          %mul3A_478 = vector.broadcast %select_n3A_363 : f32 to vector<16xf32>
          %mul3A_479 = arith.mulf %get3A_477, %mul3A_478 : vector<16xf32>
          %swap3A_480 = arith.constant 176 : index
          %swap3A_481 = tpu.vector_load %arg10[%swap3A_480] {strides = array<i32>} : memref<512xf32, #tpu.memory_space<vmem>>, vector<16xf32>,
          %swap3A_482 = vector.shape_cast %swap3A_481 : vector<16xf32> to vector<16xf32>
          %swap3A_483 = vector.shape_cast %mul3A_479 : vector<16xf32> to vector<16xf32>
          tpu.vector_store %arg10[%swap3A_480], %swap3A_483 {add = true, strides = array<i32>} : memref<512xf32, #tpu.memory_space<vmem>>, vector<16xf32>,
          %get3A_484 = arith.index_cast %scan3A_352 : i32 to index
          %get3A_485 = arith.constant 192 : index
          %get3A_486 = tpu.vector_load %arg7[%get3A_484, %get3A_485] {strides = array<i32>} : memref<64x512xf32, #tpu.memory_space<vmem>>, vector<1x16xf32>,
          %get3A_487 = vector.shape_cast %get3A_486 : vector<1x16xf32> to vector<16xf32>
          %mul3A_488 = vector.broadcast %select_n3A_363 : f32 to vector<16xf32>
          %mul3A_489 = arith.mulf %get3A_487, %mul3A_488 : vector<16xf32>
          %swap3A_490 = arith.constant 192 : index
          %swap3A_491 = tpu.vector_load %arg10[%swap3A_490] {strides = array<i32>} : memref<512xf32, #tpu.memory_space<vmem>>, vector<16xf32>,
          %swap3A_492 = vector.shape_cast %swap3A_491 : vector<16xf32> to vector<16xf32>
          %swap3A_493 = vector.shape_cast %mul3A_489 : vector<16xf32> to vector<16xf32>
          tpu.vector_store %arg10[%swap3A_490], %swap3A_493 {add = true, strides = array<i32>} : memref<512xf32, #tpu.memory_space<vmem>>, vector<16xf32>,
          %get3A_494 = arith.index_cast %scan3A_352 : i32 to index
          %get3A_495 = arith.constant 208 : index
          %get3A_496 = tpu.vector_load %arg7[%get3A_494, %get3A_495] {strides = array<i32>} : memref<64x512xf32, #tpu.memory_space<vmem>>, vector<1x16xf32>,
          %get3A_497 = vector.shape_cast %get3A_496 : vector<1x16xf32> to vector<16xf32>
          %mul3A_498 = vector.broadcast %select_n3A_363 : f32 to vector<16xf32>
          %mul3A_499 = arith.mulf %get3A_497, %mul3A_498 : vector<16xf32>
          %swap3A_500 = arith.constant 208 : index
          %swap3A_501 = tpu.vector_load %arg10[%swap3A_500] {strides = array<i32>} : memref<512xf32, #tpu.memory_space<vmem>>, vector<16xf32>,
          %swap3A_502 = vector.shape_cast %swap3A_501 : vector<16xf32> to vector<16xf32>
          %swap3A_503 = vector.shape_cast %mul3A_499 : vector<16xf32> to vector<16xf32>
          tpu.vector_store %arg10[%swap3A_500], %swap3A_503 {add = true, strides = array<i32>} : memref<512xf32, #tpu.memory_space<vmem>>, vector<16xf32>,
          %get3A_504 = arith.index_cast %scan3A_352 : i32 to index
          %get3A_505 = arith.constant 224 : index
          %get3A_506 = tpu.vector_load %arg7[%get3A_504, %get3A_505] {strides = array<i32>} : memref<64x512xf32, #tpu.memory_space<vmem>>, vector<1x16xf32>,
          %get3A_507 = vector.shape_cast %get3A_506 : vector<1x16xf32> to vector<16xf32>
          %mul3A_508 = vector.broadcast %select_n3A_363 : f32 to vector<16xf32>
          %mul3A_509 = arith.mulf %get3A_507, %mul3A_508 : vector<16xf32>
          %swap3A_510 = arith.constant 224 : index
          %swap3A_511 = tpu.vector_load %arg10[%swap3A_510] {strides = array<i32>} : memref<512xf32, #tpu.memory_space<vmem>>, vector<16xf32>,
          %swap3A_512 = vector.shape_cast %swap3A_511 : vector<16xf32> to vector<16xf32>
          %swap3A_513 = vector.shape_cast %mul3A_509 : vector<16xf32> to vector<16xf32>
          tpu.vector_store %arg10[%swap3A_510], %swap3A_513 {add = true, strides = array<i32>} : memref<512xf32, #tpu.memory_space<vmem>>, vector<16xf32>,
          %get3A_514 = arith.index_cast %scan3A_352 : i32 to index
          %get3A_515 = arith.constant 240 : index
          %get3A_516 = tpu.vector_load %arg7[%get3A_514, %get3A_515] {strides = array<i32>} : memref<64x512xf32, #tpu.memory_space<vmem>>, vector<1x16xf32>,
          %get3A_517 = vector.shape_cast %get3A_516 : vector<1x16xf32> to vector<16xf32>
          %mul3A_518 = vector.broadcast %select_n3A_363 : f32 to vector<16xf32>
          %mul3A_519 = arith.mulf %get3A_517, %mul3A_518 : vector<16xf32>
          %swap3A_520 = arith.constant 240 : index
          %swap3A_521 = tpu.vector_load %arg10[%swap3A_520] {strides = array<i32>} : memref<512xf32, #tpu.memory_space<vmem>>, vector<16xf32>,
          %swap3A_522 = vector.shape_cast %swap3A_521 : vector<16xf32> to vector<16xf32>
          %swap3A_523 = vector.shape_cast %mul3A_519 : vector<16xf32> to vector<16xf32>
          tpu.vector_store %arg10[%swap3A_520], %swap3A_523 {add = true, strides = array<i32>} : memref<512xf32, #tpu.memory_space<vmem>>, vector<16xf32>,
          %get3A_524 = arith.index_cast %scan3A_352 : i32 to index
          %get3A_525 = arith.constant 256 : index
          %get3A_526 = tpu.vector_load %arg7[%get3A_524, %get3A_525] {strides = array<i32>} : memref<64x512xf32, #tpu.memory_space<vmem>>, vector<1x16xf32>,
          %get3A_527 = vector.shape_cast %get3A_526 : vector<1x16xf32> to vector<16xf32>
          %mul3A_528 = vector.broadcast %select_n3A_363 : f32 to vector<16xf32>
          %mul3A_529 = arith.mulf %get3A_527, %mul3A_528 : vector<16xf32>
          %swap3A_530 = arith.constant 256 : index
          %swap3A_531 = tpu.vector_load %arg10[%swap3A_530] {strides = array<i32>} : memref<512xf32, #tpu.memory_space<vmem>>, vector<16xf32>,
          %swap3A_532 = vector.shape_cast %swap3A_531 : vector<16xf32> to vector<16xf32>
          %swap3A_533 = vector.shape_cast %mul3A_529 : vector<16xf32> to vector<16xf32>
          tpu.vector_store %arg10[%swap3A_530], %swap3A_533 {add = true, strides = array<i32>} : memref<512xf32, #tpu.memory_space<vmem>>, vector<16xf32>,
          %get3A_534 = arith.index_cast %scan3A_352 : i32 to index
          %get3A_535 = arith.constant 272 : index
          %get3A_536 = tpu.vector_load %arg7[%get3A_534, %get3A_535] {strides = array<i32>} : memref<64x512xf32, #tpu.memory_space<vmem>>, vector<1x16xf32>,
          %get3A_537 = vector.shape_cast %get3A_536 : vector<1x16xf32> to vector<16xf32>
          %mul3A_538 = vector.broadcast %select_n3A_363 : f32 to vector<16xf32>
          %mul3A_539 = arith.mulf %get3A_537, %mul3A_538 : vector<16xf32>
          %swap3A_540 = arith.constant 272 : index
          %swap3A_541 = tpu.vector_load %arg10[%swap3A_540] {strides = array<i32>} : memref<512xf32, #tpu.memory_space<vmem>>, vector<16xf32>,
          %swap3A_542 = vector.shape_cast %swap3A_541 : vector<16xf32> to vector<16xf32>
          %swap3A_543 = vector.shape_cast %mul3A_539 : vector<16xf32> to vector<16xf32>
          tpu.vector_store %arg10[%swap3A_540], %swap3A_543 {add = true, strides = array<i32>} : memref<512xf32, #tpu.memory_space<vmem>>, vector<16xf32>,
          %get3A_544 = arith.index_cast %scan3A_352 : i32 to index
          %get3A_545 = arith.constant 288 : index
          %get3A_546 = tpu.vector_load %arg7[%get3A_544, %get3A_545] {strides = array<i32>} : memref<64x512xf32, #tpu.memory_space<vmem>>, vector<1x16xf32>,
          %get3A_547 = vector.shape_cast %get3A_546 : vector<1x16xf32> to vector<16xf32>
          %mul3A_548 = vector.broadcast %select_n3A_363 : f32 to vector<16xf32>
          %mul3A_549 = arith.mulf %get3A_547, %mul3A_548 : vector<16xf32>
          %swap3A_550 = arith.constant 288 : index
          %swap3A_551 = tpu.vector_load %arg10[%swap3A_550] {strides = array<i32>} : memref<512xf32, #tpu.memory_space<vmem>>, vector<16xf32>,
          %swap3A_552 = vector.shape_cast %swap3A_551 : vector<16xf32> to vector<16xf32>
          %swap3A_553 = vector.shape_cast %mul3A_549 : vector<16xf32> to vector<16xf32>
          tpu.vector_store %arg10[%swap3A_550], %swap3A_553 {add = true, strides = array<i32>} : memref<512xf32, #tpu.memory_space<vmem>>, vector<16xf32>,
          %get3A_554 = arith.index_cast %scan3A_352 : i32 to index
          %get3A_555 = arith.constant 304 : index
          %get3A_556 = tpu.vector_load %arg7[%get3A_554, %get3A_555] {strides = array<i32>} : memref<64x512xf32, #tpu.memory_space<vmem>>, vector<1x16xf32>,
          %get3A_557 = vector.shape_cast %get3A_556 : vector<1x16xf32> to vector<16xf32>
          %mul3A_558 = vector.broadcast %select_n3A_363 : f32 to vector<16xf32>
          %mul3A_559 = arith.mulf %get3A_557, %mul3A_558 : vector<16xf32>
          %swap3A_560 = arith.constant 304 : index
          %swap3A_561 = tpu.vector_load %arg10[%swap3A_560] {strides = array<i32>} : memref<512xf32, #tpu.memory_space<vmem>>, vector<16xf32>,
          %swap3A_562 = vector.shape_cast %swap3A_561 : vector<16xf32> to vector<16xf32>
          %swap3A_563 = vector.shape_cast %mul3A_559 : vector<16xf32> to vector<16xf32>
          tpu.vector_store %arg10[%swap3A_560], %swap3A_563 {add = true, strides = array<i32>} : memref<512xf32, #tpu.memory_space<vmem>>, vector<16xf32>,
          %get3A_564 = arith.index_cast %scan3A_352 : i32 to index
          %get3A_565 = arith.constant 320 : index
          %get3A_566 = tpu.vector_load %arg7[%get3A_564, %get3A_565] {strides = array<i32>} : memref<64x512xf32, #tpu.memory_space<vmem>>, vector<1x16xf32>,
          %get3A_567 = vector.shape_cast %get3A_566 : vector<1x16xf32> to vector<16xf32>
          %mul3A_568 = vector.broadcast %select_n3A_363 : f32 to vector<16xf32>
          %mul3A_569 = arith.mulf %get3A_567, %mul3A_568 : vector<16xf32>
          %swap3A_570 = arith.constant 320 : index
          %swap3A_571 = tpu.vector_load %arg10[%swap3A_570] {strides = array<i32>} : memref<512xf32, #tpu.memory_space<vmem>>, vector<16xf32>,
          %swap3A_572 = vector.shape_cast %swap3A_571 : vector<16xf32> to vector<16xf32>
          %swap3A_573 = vector.shape_cast %mul3A_569 : vector<16xf32> to vector<16xf32>
          tpu.vector_store %arg10[%swap3A_570], %swap3A_573 {add = true, strides = array<i32>} : memref<512xf32, #tpu.memory_space<vmem>>, vector<16xf32>,
          %get3A_574 = arith.index_cast %scan3A_352 : i32 to index
          %get3A_575 = arith.constant 336 : index
          %get3A_576 = tpu.vector_load %arg7[%get3A_574, %get3A_575] {strides = array<i32>} : memref<64x512xf32, #tpu.memory_space<vmem>>, vector<1x16xf32>,
          %get3A_577 = vector.shape_cast %get3A_576 : vector<1x16xf32> to vector<16xf32>
          %mul3A_578 = vector.broadcast %select_n3A_363 : f32 to vector<16xf32>
          %mul3A_579 = arith.mulf %get3A_577, %mul3A_578 : vector<16xf32>
          %swap3A_580 = arith.constant 336 : index
          %swap3A_581 = tpu.vector_load %arg10[%swap3A_580] {strides = array<i32>} : memref<512xf32, #tpu.memory_space<vmem>>, vector<16xf32>,
          %swap3A_582 = vector.shape_cast %swap3A_581 : vector<16xf32> to vector<16xf32>
          %swap3A_583 = vector.shape_cast %mul3A_579 : vector<16xf32> to vector<16xf32>
          tpu.vector_store %arg10[%swap3A_580], %swap3A_583 {add = true, strides = array<i32>} : memref<512xf32, #tpu.memory_space<vmem>>, vector<16xf32>,
          %get3A_584 = arith.index_cast %scan3A_352 : i32 to index
          %get3A_585 = arith.constant 352 : index
          %get3A_586 = tpu.vector_load %arg7[%get3A_584, %get3A_585] {strides = array<i32>} : memref<64x512xf32, #tpu.memory_space<vmem>>, vector<1x16xf32>,
          %get3A_587 = vector.shape_cast %get3A_586 : vector<1x16xf32> to vector<16xf32>
          %mul3A_588 = vector.broadcast %select_n3A_363 : f32 to vector<16xf32>
          %mul3A_589 = arith.mulf %get3A_587, %mul3A_588 : vector<16xf32>
          %swap3A_590 = arith.constant 352 : index
          %swap3A_591 = tpu.vector_load %arg10[%swap3A_590] {strides = array<i32>} : memref<512xf32, #tpu.memory_space<vmem>>, vector<16xf32>,
          %swap3A_592 = vector.shape_cast %swap3A_591 : vector<16xf32> to vector<16xf32>
          %swap3A_593 = vector.shape_cast %mul3A_589 : vector<16xf32> to vector<16xf32>
          tpu.vector_store %arg10[%swap3A_590], %swap3A_593 {add = true, strides = array<i32>} : memref<512xf32, #tpu.memory_space<vmem>>, vector<16xf32>,
          %get3A_594 = arith.index_cast %scan3A_352 : i32 to index
          %get3A_595 = arith.constant 368 : index
          %get3A_596 = tpu.vector_load %arg7[%get3A_594, %get3A_595] {strides = array<i32>} : memref<64x512xf32, #tpu.memory_space<vmem>>, vector<1x16xf32>,
          %get3A_597 = vector.shape_cast %get3A_596 : vector<1x16xf32> to vector<16xf32>
          %mul3A_598 = vector.broadcast %select_n3A_363 : f32 to vector<16xf32>
          %mul3A_599 = arith.mulf %get3A_597, %mul3A_598 : vector<16xf32>
          %swap3A_600 = arith.constant 368 : index
          %swap3A_601 = tpu.vector_load %arg10[%swap3A_600] {strides = array<i32>} : memref<512xf32, #tpu.memory_space<vmem>>, vector<16xf32>,
          %swap3A_602 = vector.shape_cast %swap3A_601 : vector<16xf32> to vector<16xf32>
          %swap3A_603 = vector.shape_cast %mul3A_599 : vector<16xf32> to vector<16xf32>
          tpu.vector_store %arg10[%swap3A_600], %swap3A_603 {add = true, strides = array<i32>} : memref<512xf32, #tpu.memory_space<vmem>>, vector<16xf32>,
          %get3A_604 = arith.index_cast %scan3A_352 : i32 to index
          %get3A_605 = arith.constant 384 : index
          %get3A_606 = tpu.vector_load %arg7[%get3A_604, %get3A_605] {strides = array<i32>} : memref<64x512xf32, #tpu.memory_space<vmem>>, vector<1x16xf32>,
          %get3A_607 = vector.shape_cast %get3A_606 : vector<1x16xf32> to vector<16xf32>
          %mul3A_608 = vector.broadcast %select_n3A_363 : f32 to vector<16xf32>
          %mul3A_609 = arith.mulf %get3A_607, %mul3A_608 : vector<16xf32>
          %swap3A_610 = arith.constant 384 : index
          %swap3A_611 = tpu.vector_load %arg10[%swap3A_610] {strides = array<i32>} : memref<512xf32, #tpu.memory_space<vmem>>, vector<16xf32>,
          %swap3A_612 = vector.shape_cast %swap3A_611 : vector<16xf32> to vector<16xf32>
          %swap3A_613 = vector.shape_cast %mul3A_609 : vector<16xf32> to vector<16xf32>
          tpu.vector_store %arg10[%swap3A_610], %swap3A_613 {add = true, strides = array<i32>} : memref<512xf32, #tpu.memory_space<vmem>>, vector<16xf32>,
          %get3A_614 = arith.index_cast %scan3A_352 : i32 to index
          %get3A_615 = arith.constant 400 : index
          %get3A_616 = tpu.vector_load %arg7[%get3A_614, %get3A_615] {strides = array<i32>} : memref<64x512xf32, #tpu.memory_space<vmem>>, vector<1x16xf32>,
          %get3A_617 = vector.shape_cast %get3A_616 : vector<1x16xf32> to vector<16xf32>
          %mul3A_618 = vector.broadcast %select_n3A_363 : f32 to vector<16xf32>
          %mul3A_619 = arith.mulf %get3A_617, %mul3A_618 : vector<16xf32>
          %swap3A_620 = arith.constant 400 : index
          %swap3A_621 = tpu.vector_load %arg10[%swap3A_620] {strides = array<i32>} : memref<512xf32, #tpu.memory_space<vmem>>, vector<16xf32>,
          %swap3A_622 = vector.shape_cast %swap3A_621 : vector<16xf32> to vector<16xf32>
          %swap3A_623 = vector.shape_cast %mul3A_619 : vector<16xf32> to vector<16xf32>
          tpu.vector_store %arg10[%swap3A_620], %swap3A_623 {add = true, strides = array<i32>} : memref<512xf32, #tpu.memory_space<vmem>>, vector<16xf32>,
          %get3A_624 = arith.index_cast %scan3A_352 : i32 to index
          %get3A_625 = arith.constant 416 : index
          %get3A_626 = tpu.vector_load %arg7[%get3A_624, %get3A_625] {strides = array<i32>} : memref<64x512xf32, #tpu.memory_space<vmem>>, vector<1x16xf32>,
          %get3A_627 = vector.shape_cast %get3A_626 : vector<1x16xf32> to vector<16xf32>
          %mul3A_628 = vector.broadcast %select_n3A_363 : f32 to vector<16xf32>
          %mul3A_629 = arith.mulf %get3A_627, %mul3A_628 : vector<16xf32>
          %swap3A_630 = arith.constant 416 : index
          %swap3A_631 = tpu.vector_load %arg10[%swap3A_630] {strides = array<i32>} : memref<512xf32, #tpu.memory_space<vmem>>, vector<16xf32>,
          %swap3A_632 = vector.shape_cast %swap3A_631 : vector<16xf32> to vector<16xf32>
          %swap3A_633 = vector.shape_cast %mul3A_629 : vector<16xf32> to vector<16xf32>
          tpu.vector_store %arg10[%swap3A_630], %swap3A_633 {add = true, strides = array<i32>} : memref<512xf32, #tpu.memory_space<vmem>>, vector<16xf32>,
          %get3A_634 = arith.index_cast %scan3A_352 : i32 to index
          %get3A_635 = arith.constant 432 : index
          %get3A_636 = tpu.vector_load %arg7[%get3A_634, %get3A_635] {strides = array<i32>} : memref<64x512xf32, #tpu.memory_space<vmem>>, vector<1x16xf32>,
          %get3A_637 = vector.shape_cast %get3A_636 : vector<1x16xf32> to vector<16xf32>
          %mul3A_638 = vector.broadcast %select_n3A_363 : f32 to vector<16xf32>
          %mul3A_639 = arith.mulf %get3A_637, %mul3A_638 : vector<16xf32>
          %swap3A_640 = arith.constant 432 : index
          %swap3A_641 = tpu.vector_load %arg10[%swap3A_640] {strides = array<i32>} : memref<512xf32, #tpu.memory_space<vmem>>, vector<16xf32>,
          %swap3A_642 = vector.shape_cast %swap3A_641 : vector<16xf32> to vector<16xf32>
          %swap3A_643 = vector.shape_cast %mul3A_639 : vector<16xf32> to vector<16xf32>
          tpu.vector_store %arg10[%swap3A_640], %swap3A_643 {add = true, strides = array<i32>} : memref<512xf32, #tpu.memory_space<vmem>>, vector<16xf32>,
          %get3A_644 = arith.index_cast %scan3A_352 : i32 to index
          %get3A_645 = arith.constant 448 : index
          %get3A_646 = tpu.vector_load %arg7[%get3A_644, %get3A_645] {strides = array<i32>} : memref<64x512xf32, #tpu.memory_space<vmem>>, vector<1x16xf32>,
          %get3A_647 = vector.shape_cast %get3A_646 : vector<1x16xf32> to vector<16xf32>
          %mul3A_648 = vector.broadcast %select_n3A_363 : f32 to vector<16xf32>
          %mul3A_649 = arith.mulf %get3A_647, %mul3A_648 : vector<16xf32>
          %swap3A_650 = arith.constant 448 : index
          %swap3A_651 = tpu.vector_load %arg10[%swap3A_650] {strides = array<i32>} : memref<512xf32, #tpu.memory_space<vmem>>, vector<16xf32>,
          %swap3A_652 = vector.shape_cast %swap3A_651 : vector<16xf32> to vector<16xf32>
          %swap3A_653 = vector.shape_cast %mul3A_649 : vector<16xf32> to vector<16xf32>
          tpu.vector_store %arg10[%swap3A_650], %swap3A_653 {add = true, strides = array<i32>} : memref<512xf32, #tpu.memory_space<vmem>>, vector<16xf32>,
          %get3A_654 = arith.index_cast %scan3A_352 : i32 to index
          %get3A_655 = arith.constant 464 : index
          %get3A_656 = tpu.vector_load %arg7[%get3A_654, %get3A_655] {strides = array<i32>} : memref<64x512xf32, #tpu.memory_space<vmem>>, vector<1x16xf32>,
          %get3A_657 = vector.shape_cast %get3A_656 : vector<1x16xf32> to vector<16xf32>
          %mul3A_658 = vector.broadcast %select_n3A_363 : f32 to vector<16xf32>
          %mul3A_659 = arith.mulf %get3A_657, %mul3A_658 : vector<16xf32>
          %swap3A_660 = arith.constant 464 : index
          %swap3A_661 = tpu.vector_load %arg10[%swap3A_660] {strides = array<i32>} : memref<512xf32, #tpu.memory_space<vmem>>, vector<16xf32>,
          %swap3A_662 = vector.shape_cast %swap3A_661 : vector<16xf32> to vector<16xf32>
          %swap3A_663 = vector.shape_cast %mul3A_659 : vector<16xf32> to vector<16xf32>
          tpu.vector_store %arg10[%swap3A_660], %swap3A_663 {add = true, strides = array<i32>} : memref<512xf32, #tpu.memory_space<vmem>>, vector<16xf32>,
          %get3A_664 = arith.index_cast %scan3A_352 : i32 to index
          %get3A_665 = arith.constant 480 : index
          %get3A_666 = tpu.vector_load %arg7[%get3A_664, %get3A_665] {strides = array<i32>} : memref<64x512xf32, #tpu.memory_space<vmem>>, vector<1x16xf32>,
          %get3A_667 = vector.shape_cast %get3A_666 : vector<1x16xf32> to vector<16xf32>
          %mul3A_668 = vector.broadcast %select_n3A_363 : f32 to vector<16xf32>
          %mul3A_669 = arith.mulf %get3A_667, %mul3A_668 : vector<16xf32>
          %swap3A_670 = arith.constant 480 : index
          %swap3A_671 = tpu.vector_load %arg10[%swap3A_670] {strides = array<i32>} : memref<512xf32, #tpu.memory_space<vmem>>, vector<16xf32>,
          %swap3A_672 = vector.shape_cast %swap3A_671 : vector<16xf32> to vector<16xf32>
          %swap3A_673 = vector.shape_cast %mul3A_669 : vector<16xf32> to vector<16xf32>
          tpu.vector_store %arg10[%swap3A_670], %swap3A_673 {add = true, strides = array<i32>} : memref<512xf32, #tpu.memory_space<vmem>>, vector<16xf32>,
          %get3A_674 = arith.index_cast %scan3A_352 : i32 to index
          %get3A_675 = arith.constant 496 : index
          %get3A_676 = tpu.vector_load %arg7[%get3A_674, %get3A_675] {strides = array<i32>} : memref<64x512xf32, #tpu.memory_space<vmem>>, vector<1x16xf32>,
          %get3A_677 = vector.shape_cast %get3A_676 : vector<1x16xf32> to vector<16xf32>
          %mul3A_678 = vector.broadcast %select_n3A_363 : f32 to vector<16xf32>
          %mul3A_679 = arith.mulf %get3A_677, %mul3A_678 : vector<16xf32>
          %swap3A_680 = arith.constant 496 : index
          %swap3A_681 = tpu.vector_load %arg10[%swap3A_680] {strides = array<i32>} : memref<512xf32, #tpu.memory_space<vmem>>, vector<16xf32>,
          %swap3A_682 = vector.shape_cast %swap3A_681 : vector<16xf32> to vector<16xf32>
          %swap3A_683 = vector.shape_cast %mul3A_679 : vector<16xf32> to vector<16xf32>
          tpu.vector_store %arg10[%swap3A_680], %swap3A_683 {add = true, strides = array<i32>} : memref<512xf32, #tpu.memory_space<vmem>>, vector<16xf32>,
          %scan3A_684 = arith.constant 0 : i32
          scf.yield %scan3A_684 : i32
        }
        %scan3A_351 = arith.constant 64 : i32
      } else {
      }
      %scan3A_309 = arith.constant 0 : i32
      scf.yield %scan3A_309 : i32
    }
    %scan3A_301 = arith.constant 33 : i32
    "tpu.region"() ({
      %run_scoped3A = tpu.sem_alloc : memref<!tpu.dma_semaphore, #tpu.memory_space<semaphore_mem>>
      %dma_start3A = arith.constant 0 : i32
      %dma_start3A_302 = tpu.memref_slice %arg6[%add3A, %dma_start3A] : memref<32x512xf32, #tpu.memory_space<hbm>> -> memref<1x512xf32, #tpu.memory_space<hbm>>
      %dma_start3A_303 = tpu.memref_squeeze %dma_start3A_302 : memref<1x512xf32, #tpu.memory_space<hbm>> -> memref<512xf32, #tpu.memory_space<hbm>>
      %dma_start3A_304 = arith.constant 0 : i32
      %dma_start3A_305 = tpu.memref_slice %arg6[%add3A, %dma_start3A_304] : memref<32x512xf32, #tpu.memory_space<hbm>> -> memref<1x512xf32, #tpu.memory_space<hbm>>
      %dma_start3A_306 = tpu.memref_squeeze %dma_start3A_305 : memref<1x512xf32, #tpu.memory_space<hbm>> -> memref<512xf32, #tpu.memory_space<hbm>>
      tpu.enqueue_dma source(%arg10 : memref<512xf32, #tpu.memory_space<vmem>>) target(%dma_start3A_306 : memref<512xf32, #tpu.memory_space<hbm>>) target_semaphore(%run_scoped3A : memref<!tpu.dma_semaphore, #tpu.memory_space<semaphore_mem>>)
      %dma_wait3A = arith.constant 0 : i32
      %dma_wait3A_307 = tpu.memref_slice %arg6[%add3A, %dma_wait3A] : memref<32x512xf32, #tpu.memory_space<hbm>> -> memref<1x512xf32, #tpu.memory_space<hbm>>
      %dma_wait3A_308 = tpu.memref_squeeze %dma_wait3A_307 : memref<1x512xf32, #tpu.memory_space<hbm>> -> memref<512xf32, #tpu.memory_space<hbm>>
      %dma_wait3A_309 = arith.constant 0 : i32
      %dma_wait3A_310 = tpu.memref_slice %arg6[%add3A, %dma_wait3A_309] : memref<32x512xf32, #tpu.memory_space<hbm>> -> memref<1x512xf32, #tpu.memory_space<hbm>>
      %dma_wait3A_311 = tpu.memref_squeeze %dma_wait3A_310 : memref<1x512xf32, #tpu.memory_space<hbm>> -> memref<512xf32, #tpu.memory_space<hbm>>
      tpu.wait_dma2 semaphore(%run_scoped3A : memref<!tpu.dma_semaphore, #tpu.memory_space<semaphore_mem>>) src(%arg10 : memref<512xf32, #tpu.memory_space<vmem>>) dst(%dma_wait3A_311 : memref<512xf32, #tpu.memory_space<hbm>>)
      tpu.yield
    }) : () -> ()
    return
  }
}

module attributes {stable_mosaic.version = 14 : i64} {
  func.func @_combine_kernel(%arg0: memref<16x2x512xf32, #tpu.memory_space<vmem>>, %arg1: memref<1x16xf32, #tpu.memory_space<vmem>>, %arg2: memref<16x512xf32, #tpu.memory_space<vmem>>) attributes {dimension_semantics = [], scalar_prefetch = 0 : i64, scratch_operands = 0 : i64, tpu.core_type = #tpu.core_type<tc>} {
    %get3A = arith.constant 0 : index
    %get3A_0 = arith.constant 0 : index
    %get3A_1 = arith.constant 0 : index
    %get3A_2 = vector.load %arg0[%get3A, %get3A_0, %get3A_1] : memref<16x2x512xf32, #tpu.memory_space<vmem>>, vector<16x1x512xf32>
    %get3A_3 = vector.shape_cast %get3A_2 : vector<16x1x512xf32> to vector<16x512xf32>
    %get3A_4 = arith.constant 0 : index
    %get3A_5 = arith.constant 1 : index
    %get3A_6 = arith.constant 0 : index
    %get3A_7 = vector.load %arg0[%get3A_4, %get3A_5, %get3A_6] : memref<16x2x512xf32, #tpu.memory_space<vmem>>, vector<16x1x512xf32>
    %get3A_8 = vector.shape_cast %get3A_7 : vector<16x1x512xf32> to vector<16x512xf32>
    %add3A = arith.addf %get3A_3, %get3A_8 : vector<16x512xf32>
    %get3A_9 = arith.constant 0 : index
    %get3A_10 = arith.constant 0 : index
    %get3A_11 = vector.load %arg1[%get3A_9, %get3A_10] : memref<1x16xf32, #tpu.memory_space<vmem>>, vector<1x1xf32>
    %div3A = vector.broadcast %get3A_11 : vector<1x1xf32> to vector<16x512xf32>
    %div3A_12 = arith.divf %add3A, %div3A : vector<16x512xf32>
    %swap3A = arith.constant 0 : index
    %swap3A_13 = arith.constant 0 : index
    %swap3A_14 = vector.load %arg2[%swap3A, %swap3A_13] : memref<16x512xf32, #tpu.memory_space<vmem>>, vector<16x512xf32>
    tpu.vector_store %arg2[%swap3A, %swap3A_13], %div3A_12 {strides = array<i32>} : memref<16x512xf32, #tpu.memory_space<vmem>>, vector<16x512xf32>,
    return
  }
}

module attributes {stable_mosaic.version = 14 : i64} {
  func.func @_logits_kernel(%arg0: i32, %arg1: memref<4096x512xf32, #tpu.memory_space<vmem>>, %arg2: memref<512x512xf32, #tpu.memory_space<vmem>>, %arg3: memref<1x512xf32, #tpu.memory_space<vmem>>, %arg4: memref<1x512xf32, #tpu.memory_space<vmem>>, %arg5: memref<4096x1xf32, #tpu.memory_space<vmem>>, %arg6: memref<1x16xf32, #tpu.memory_space<vmem>>, %arg7: memref<1x16xf32, #tpu.memory_space<vmem>>, %arg8: memref<1xf32, #tpu.memory_space<smem>>, %arg9: memref<1xf32, #tpu.memory_space<smem>>) attributes {dimension_semantics = [#tpu.dimension_semantics<arbitrary>], iteration_bounds = array<i64: 8>, scalar_prefetch = 0 : i64, scratch_operands = 2 : i64, tpu.core_type = #tpu.core_type<tc>, window_params = [{transform_indices = @transform_0, window_bounds = array<i64: 4096, 512>}, {pipeline_mode = #tpu.pipeline_mode<synchronous>, transform_indices = @transform_1, window_bounds = array<i64: 512, 512>}, {pipeline_mode = #tpu.pipeline_mode<synchronous>, transform_indices = @transform_2, window_bounds = array<i64: 1, 512>}, {pipeline_mode = #tpu.pipeline_mode<synchronous>, transform_indices = @transform_3, window_bounds = array<i64: 1, 512>}, {transform_indices = @transform_4, window_bounds = array<i64: 4096, 1>}, {pipeline_mode = #tpu.pipeline_mode<synchronous>, transform_indices = @transform_5, window_bounds = array<i64: 1, 16>}, {pipeline_mode = #tpu.pipeline_mode<synchronous>, transform_indices = @transform_6, window_bounds = array<i64: 1, 16>}]} {
    %eq3A = arith.constant 0 : i32
    %eq3A_0 = arith.cmpi eq, %arg0, %eq3A : i32
    %convert_element_type3A = arith.extui %eq3A_0 : i1 to i32
    %cond3A = arith.constant 0 : i32
    %cond3A_1 = arith.cmpi ne, %convert_element_type3A, %cond3A : i32
    scf.if %cond3A_1 {
      %swap3A_47 = arith.constant 0xFF800000 : f32
      %swap3A_48 = arith.constant 0 : index
      %swap3A_49 = memref.load %arg8[%swap3A_48] : memref<1xf32, #tpu.memory_space<smem>>
      memref.store %swap3A_47, %arg8[%swap3A_48] : memref<1xf32, #tpu.memory_space<smem>>
      %swap3A_50 = arith.constant 0.000000e+00 : f32
      %swap3A_51 = arith.constant 0 : index
      %swap3A_52 = memref.load %arg9[%swap3A_51] : memref<1xf32, #tpu.memory_space<smem>>
      memref.store %swap3A_50, %arg9[%swap3A_51] : memref<1xf32, #tpu.memory_space<smem>>
    } else {
    }
    %get3A = arith.constant 0 : index
    %get3A_2 = arith.constant 0 : index
    %get3A_3 = vector.load %arg1[%get3A, %get3A_2] : memref<4096x512xf32, #tpu.memory_space<vmem>>, vector<4096x512xf32>
    %get3A_4 = arith.constant 0 : index
    %get3A_5 = arith.constant 0 : index
    %get3A_6 = vector.load %arg2[%get3A_4, %get3A_5] : memref<512x512xf32, #tpu.memory_space<vmem>>, vector<512x512xf32>
    %dot_general3A = arith.constant dense<0.000000e+00> : vector<4096x512xf32>
    %dot_general3A_7 = tpu.matmul %get3A_3, %get3A_6, %dot_general3A {dimension_numbers = #tpu.dot_dimension_numbers<[1], [1], [0], [0], [0, 0, 1, 0], [], []>, transpose_lhs_hint = false} : vector<4096x512xf32>, vector<512x512xf32>, vector<4096x512xf32> -> vector<4096x512xf32>
    %get3A_8 = arith.constant 0 : index
    %get3A_9 = arith.constant 0 : index
    %get3A_10 = vector.load %arg3[%get3A_8, %get3A_9] : memref<1x512xf32, #tpu.memory_space<vmem>>, vector<1x512xf32>
    %add3A = vector.broadcast %get3A_10 : vector<1x512xf32> to vector<4096x512xf32>
    %add3A_11 = arith.addf %dot_general3A_7, %add3A : vector<4096x512xf32>
    %max3A = arith.constant 0.000000e+00 : f32
    %max3A_12 = vector.broadcast %max3A : f32 to vector<4096x512xf32>
    %max3A_13 = arith.maximumf %add3A_11, %max3A_12 : vector<4096x512xf32>
    %get3A_14 = arith.constant 0 : index
    %get3A_15 = arith.constant 0 : index
    %get3A_16 = vector.load %arg4[%get3A_14, %get3A_15] : memref<1x512xf32, #tpu.memory_space<vmem>>, vector<1x512xf32>
    %dot_general3A_17 = arith.constant dense<0.000000e+00> : vector<4096x1xf32>
    %dot_general3A_18 = tpu.matmul %max3A_13, %get3A_16, %dot_general3A_17 {dimension_numbers = #tpu.dot_dimension_numbers<[1], [1], [0], [0], [0, 0, 1, 0], [], []>, transpose_lhs_hint = false} : vector<4096x512xf32>, vector<1x512xf32>, vector<4096x1xf32> -> vector<4096x1xf32>
    %swap3A = arith.constant 0 : index
    %swap3A_19 = arith.constant 0 : index
    %swap3A_20 = vector.load %arg5[%swap3A, %swap3A_19] : memref<4096x1xf32, #tpu.memory_space<vmem>>, vector<4096x1xf32>
    tpu.vector_store %arg5[%swap3A, %swap3A_19], %dot_general3A_18 {strides = array<i32>} : memref<4096x1xf32, #tpu.memory_space<vmem>>, vector<4096x1xf32>,
    %get3A_21 = arith.constant 0 : index
    %get3A_22 = memref.load %arg8[%get3A_21] : memref<1xf32, #tpu.memory_space<smem>>
    %reduce_max3A = vector.shape_cast %dot_general3A_18 : vector<4096x1xf32> to vector<1x4096x1xf32>
    %reduce_max3A_23 = arith.constant dense<0xFF800000> : vector<1xf32>
    %reduce_max3A_24 = vector.multi_reduction <maximumf>, %reduce_max3A, %reduce_max3A_23 [1, 2] : vector<1x4096x1xf32> to vector<1xf32>
    %reduce_max3A_25 = vector.shape_cast %reduce_max3A_24 : vector<1xf32> to vector<1x1x1xf32>
    %reduce_max3A_26 = vector.extract %reduce_max3A_25[0, 0, 0] : f32 from vector<1x1x1xf32>
    %max3A_27 = arith.maximumf %get3A_22, %reduce_max3A_26 : f32
    %sub3A = arith.subf %get3A_22, %max3A_27 : f32
    %exp3A = math.exp %sub3A : f32
    %get3A_28 = arith.constant 0 : index
    %get3A_29 = memref.load %arg9[%get3A_28] : memref<1xf32, #tpu.memory_space<smem>>
    %mul3A = arith.mulf %get3A_29, %exp3A : f32
    %sub3A_30 = vector.broadcast %max3A_27 : f32 to vector<4096x1xf32>
    %sub3A_31 = arith.subf %dot_general3A_18, %sub3A_30 : vector<4096x1xf32>
    %exp3A_32 = math.exp %sub3A_31 : vector<4096x1xf32>
    %reduce_sum3A = vector.shape_cast %exp3A_32 : vector<4096x1xf32> to vector<1x4096x1xf32>
    %reduce_sum3A_33 = arith.constant dense<0.000000e+00> : vector<1xf32>
    %reduce_sum3A_34 = vector.multi_reduction <add>, %reduce_sum3A, %reduce_sum3A_33 [1, 2] : vector<1x4096x1xf32> to vector<1xf32>
    %reduce_sum3A_35 = vector.shape_cast %reduce_sum3A_34 : vector<1xf32> to vector<1x1x1xf32>
    %reduce_sum3A_36 = vector.extract %reduce_sum3A_35[0, 0, 0] : f32 from vector<1x1x1xf32>
    %add3A_37 = arith.addf %mul3A, %reduce_sum3A_36 : f32
    %swap3A_38 = arith.constant 0 : index
    %swap3A_39 = memref.load %arg9[%swap3A_38] : memref<1xf32, #tpu.memory_space<smem>>
    memref.store %add3A_37, %arg9[%swap3A_38] : memref<1xf32, #tpu.memory_space<smem>>
    %swap3A_40 = arith.constant 0 : index
    %swap3A_41 = memref.load %arg8[%swap3A_40] : memref<1xf32, #tpu.memory_space<smem>>
    memref.store %max3A_27, %arg8[%swap3A_40] : memref<1xf32, #tpu.memory_space<smem>>
    %eq3A_42 = arith.constant 7 : i32
    %eq3A_43 = arith.cmpi eq, %arg0, %eq3A_42 : i32
    %convert_element_type3A_44 = arith.extui %eq3A_43 : i1 to i32
    %cond3A_45 = arith.constant 0 : i32
    %cond3A_46 = arith.cmpi ne, %convert_element_type3A_44, %cond3A_45 : i32
    scf.if %cond3A_46 {
      %get3A_47 = arith.constant 0 : index
      %get3A_48 = memref.load %arg8[%get3A_47] : memref<1xf32, #tpu.memory_space<smem>>
      %broadcast_in_dim3A = vector.broadcast %get3A_48 : f32 to vector<1x16xf32>
      %swap3A_49 = arith.constant 0 : index
      %swap3A_50 = arith.constant 0 : index
      %swap3A_51 = vector.load %arg6[%swap3A_49, %swap3A_50] : memref<1x16xf32, #tpu.memory_space<vmem>>, vector<1x16xf32>
      tpu.vector_store %arg6[%swap3A_49, %swap3A_50], %broadcast_in_dim3A {strides = array<i32>} : memref<1x16xf32, #tpu.memory_space<vmem>>, vector<1x16xf32>,
      %get3A_52 = arith.constant 0 : index
      %get3A_53 = memref.load %arg9[%get3A_52] : memref<1xf32, #tpu.memory_space<smem>>
      %broadcast_in_dim3A_54 = vector.broadcast %get3A_53 : f32 to vector<1x16xf32>
      %swap3A_55 = arith.constant 0 : index
      %swap3A_56 = arith.constant 0 : index
      %swap3A_57 = vector.load %arg7[%swap3A_55, %swap3A_56] : memref<1x16xf32, #tpu.memory_space<vmem>>, vector<1x16xf32>
      tpu.vector_store %arg7[%swap3A_55, %swap3A_56], %broadcast_in_dim3A_54 {strides = array<i32>} : memref<1x16xf32, #tpu.memory_space<vmem>>, vector<1x16xf32>,
    } else {
    }
    return
  }
  func.func @transform_0(%arg0: i32) -> (i32, i32) {
    %c0_i32 = arith.constant 0 : i32
    %c0_i32_0 = arith.constant 0 : i32
    return %arg0, %c0_i32 : i32, i32
  }
  func.func @transform_1(%arg0: i32) -> (i32, i32) {
    %c0_i32 = arith.constant 0 : i32
    %c0_i32_0 = arith.constant 0 : i32
    %c0_i32_1 = arith.constant 0 : i32
    return %c0_i32, %c0_i32_0 : i32, i32
  }
  func.func @transform_2(%arg0: i32) -> (i32, i32) {
    %c0_i32 = arith.constant 0 : i32
    %c0_i32_0 = arith.constant 0 : i32
    %c0_i32_1 = arith.constant 0 : i32
    return %c0_i32, %c0_i32_0 : i32, i32
  }
  func.func @transform_3(%arg0: i32) -> (i32, i32) {
    %c0_i32 = arith.constant 0 : i32
    %c0_i32_0 = arith.constant 0 : i32
    %c0_i32_1 = arith.constant 0 : i32
    return %c0_i32, %c0_i32_0 : i32, i32
  }
  func.func @transform_4(%arg0: i32) -> (i32, i32) {
    %c0_i32 = arith.constant 0 : i32
    %c0_i32_0 = arith.constant 0 : i32
    return %arg0, %c0_i32 : i32, i32
  }
  func.func @transform_5(%arg0: i32) -> (i32, i32) {
    %c0_i32 = arith.constant 0 : i32
    %c0_i32_0 = arith.constant 0 : i32
    %c0_i32_1 = arith.constant 0 : i32
    return %c0_i32, %c0_i32_0 : i32, i32
  }
  func.func @transform_6(%arg0: i32) -> (i32, i32) {
    %c0_i32 = arith.constant 0 : i32
    %c0_i32_0 = arith.constant 0 : i32
    %c0_i32_1 = arith.constant 0 : i32
    return %c0_i32, %c0_i32_0 : i32, i32
  }
}

</mosaic_0001>

<sc_bundles>
// kernel: kernel.5.cloned.1.call-start
scs
__scs_entry_jumppad:
0x0: {  	(pc) =	sbr.rel $0x88, $3  }
0x1: {  	(tag) =	ssettag $0x0;
	lr =	simm.s32 $0x1  }
0x2: {  	[smem:$0x3F9C] =	sst lr;
	_ =	strace $0xD0000000  }
0x3: {  	_ = 	snop  }
0x4: {  	_ = 	snop  }
0x5: {  	_ = 	snop  }
0x6: {  	_ = 	snop  }
0x7: {  	_ = 	snop  }
__scs_overlays_trampoline_lowered:
0x8: {  	[smem:$0x3FAB] =	sst s0  }
0x9: {  	[smem:$0x3FAC] =	sst s1  }
0xa: {  	[smem:$0x3FAD] =	sst s2  }
0xb: {  	[smem:$0x3FAE] =	sst s3  }
0xc: {  	[smem:$0x3FAF] =	sst s4  }
0xd: {  	[smem:$0x3FB0] =	sst s5  }
0xe: {  	[smem:$0x3FB1] =	sst s6  }
0xf: {  	[smem:$0x3FB2] =	sst s7  }
0x10: {  	[smem:$0x3FB3] =	sst s8  }
0x11: {  	[smem:$0x3FB4] =	sst s9;
	s0 =	simm.s32 @!p0 $0x0  }
0x12: {  	s1 =	sld [smem:$0x3F9A];
	s0 =	simm.s32 @p0 $0x1  }
0x13: {  	[smem:$0x3FB5] =	sst s0;
	s0 =	simm.s32 @!p1 $0x0  }
0x14: {  	s2 =	sld [smem:$0x3F99];
	s0 =	simm.s32 @p1 $0x1  }
0x15: {  	[smem:$0x3FB6] =	sst s0;
	s0 =	simm.s32 @!p2 $0x0  }
0x16: {  	s3 =	sld [smem:$0x3FDB];
	s0 =	simm.s32 @p2 $0x1  }
0x17: {  	s4 =	simm.s32 $0x1BF5;
	[smem:$0x3FB8] =	sst s0  }
0x18: {  	s0 =	sld [smem:$0x3F9B];
	_ =	swait.ge [sflag:s4], $0x0  }
0x19: {  	s7 =	sld [smem:$0x3F9C]  }
0x1a: {  	s8 =	sadd.s32 $0xFFFFE003, lr  }
0x1b: {  	s9 =	sadd.s32 $0xFFFFFEF7, lr;
	s5 =	simm.s32 $0xFFFFFFFF;
	p2 =	slt.u32 s8, $0xFFFFF086  }
0x1c: {  	p1 =	slt.u32 s9, $0xF7A;
	s5 =	simm.s32 @!p2 $0x0  }
0x1d: {  	s5 =	simm.s32 @p1 $0x1;
	p0 =	seq.s32 s7, s2  }
0x1e: {  	s7 =	smul.u32 @!p0 $0xF7A, s2;
	p2 =	seq.s32 @!p0 s5, $0x0  }
0x1f: {  	s9 =	smul.u32 $0xF7A, s1;
	s8 =	simm.s32 @!p0 $0x1BF5;
	p2 =	por !p2, p0  }
0x20: {  	[sflag:s8] =	ssyncset.s32 @!p0 $0xFFFFF086;
	s6 =	sadd.s32 @!p0 s3, s7;
	s7 =	simm.s32 @!p0 $0x108  }
0x21: {  	s3 =	sadd.s32 s3, s9;
	s6 =	sadd.s32 @!p0 $0x88, s6;
	s7 =	simm.s32 @p2 $0x1082  }
0x22: {  	[simem:s7], [sflag:s8] =	dma.local @!p0 [hbm:s6], $0xF7A  }
0x23: {  	s9 =	sor.u32 $0xD0000000, s2;
	s6 =	simm.s32 $0x108;
	_ =	swait.ge @!p0 [sflag:s8], $0x0  }
0x24: {  	s3 =	sadd.s32 $0x88, s3;
	s6 =	simm.s32 @!p1 $0x1082;
	[sflag:s4] =	ssyncset.s32 $0xFFFFF086  }
0x25: {  	[simem:s6], [sflag:s4] =	dma.local [hbm:s3], $0xF7A  }
0x26: {  	[smem:$0x3F9C] =	sst s1;
	(tag) =	ssettag s2;
	_ =	strace s9  }
0x27: {  	s1 =	sld [smem:$0x3FAC]  }
0x28: {  	s2 =	sld [smem:$0x3FAD]  }
0x29: {  	s4 =	sld [smem:$0x3FAF]  }
0x2a: {  	p0 =	seq.s32 s5, $0x0;
	s5 =	sld [smem:$0x3FB0]  }
0x2b: {  	s6 =	sld [smem:$0x3FB1]  }
0x2c: {  	s7 =	sld [smem:$0x3FB2]  }
0x2d: {  	s3 =	simm.s32 $0x108;
	s8 =	sld [smem:$0x3FB3]  }
0x2e: {  	s3 =	simm.s32 @!p0 $0x1082;
	s9 =	sld [smem:$0x3FB4]  }
0x2f: {  	lr =	sadd.s32 s0, s3;
	s0 =	sld [smem:$0x3FAB]  }
0x30: {  	s3 =	sld [smem:$0x3FAE]  }
0x31: {  	[smem:$0x3FB7] =	sst s10  }
0x32: {  	s10 =	sld [smem:$0x3FB5];
	_ =	sdelay $0x3  }
0x33: {  	p0 =	seq.s32 s10, $0x1;
	s10 =	sld [smem:$0x3FB7];
	_ =	sdelay $0x3  }
0x34: {  	[smem:$0x3FB7] =	sst s10  }
0x35: {  	s10 =	sld [smem:$0x3FB6];
	_ =	sdelay $0x3  }
0x36: {  	p1 =	seq.s32 s10, $0x1;
	s10 =	sld [smem:$0x3FB7];
	_ =	sdelay $0x3  }
0x37: {  	[smem:$0x3FB7] =	sst s10  }
0x38: {  	s10 =	sld [smem:$0x3FB8]  }
0x39: {  	_ = 	snop;
	(pc) =	sbr.ind lr, $3  }
0x3a: {  	_ = 	snop  }
0x3b: {  	_ = 	snop  }
0x3c: {  	p2 =	seq.s32 s10, $0x1;
	s10 =	sld [smem:$0x3FB7]  }
0x3d: {  	_ =	shalt  }
0x3e: {  	_ =	shalt  }
0x3f: {  	_ =	shalt  }
0x40: {  	_ =	shalt  }
0x41: {  	_ =	shalt  }
0x42: {  	_ =	shalt  }
0x43: {  	_ =	shalt  }
0x44: {  	_ =	shalt  }
0x45: {  	_ =	shalt  }
0x46: {  	_ =	shalt  }
0x47: {  	_ =	shalt  }
0x48: {  	_ =	shalt  }
0x49: {  	_ =	shalt  }
0x4a: {  	_ =	shalt  }
0x4b: {  	_ =	shalt  }
0x4c: {  	_ =	shalt  }
0x4d: {  	_ =	shalt  }
0x4e: {  	_ =	shalt  }
0x4f: {  	_ =	shalt  }
0x50: {  	_ =	shalt  }
0x51: {  	_ =	shalt  }
0x52: {  	_ =	shalt  }
0x53: {  	_ =	shalt  }
0x54: {  	_ =	shalt  }
0x55: {  	_ =	shalt  }
0x56: {  	_ =	shalt  }
0x57: {  	_ =	shalt  }
0x58: {  	_ =	shalt  }
0x59: {  	_ =	shalt  }
0x5a: {  	_ =	shalt  }
0x5b: {  	_ =	shalt  }
0x5c: {  	_ =	shalt  }
0x5d: {  	_ =	shalt  }
0x5e: {  	_ =	shalt  }
0x5f: {  	_ =	shalt  }
0x60: {  	_ =	shalt  }
0x61: {  	_ =	shalt  }
0x62: {  	_ =	shalt  }
0x63: {  	_ =	shalt  }
0x64: {  	_ =	shalt  }
0x65: {  	_ =	shalt  }
0x66: {  	_ =	shalt  }
0x67: {  	_ =	shalt  }
0x68: {  	_ =	shalt  }
0x69: {  	_ =	shalt  }
0x6a: {  	_ =	shalt  }
0x6b: {  	_ =	shalt  }
0x6c: {  	_ =	shalt  }
0x6d: {  	_ =	shalt  }
0x6e: {  	_ =	shalt  }
0x6f: {  	_ =	shalt  }
0x70: {  	_ =	shalt  }
0x71: {  	_ =	shalt  }
0x72: {  	_ =	shalt  }
0x73: {  	_ =	shalt  }
0x74: {  	_ =	shalt  }
0x75: {  	_ =	shalt  }
0x76: {  	_ =	shalt  }
0x77: {  	_ =	shalt  }
0x78: {  	_ =	shalt  }
0x79: {  	_ =	shalt  }
0x7a: {  	_ =	shalt  }
0x7b: {  	_ =	shalt  }
0x7c: {  	_ =	shalt  }
0x7d: {  	_ =	shalt  }
0x7e: {  	_ =	shalt  }
0x7f: {  	_ =	shalt  }
0x80: {  	_ =	shalt  }
0x81: {  	_ =	shalt  }
0x82: {  	_ =	shalt  }
0x83: {  	_ =	shalt  }
0x84: {  	_ =	shalt  }
0x85: {  	_ =	shalt  }
0x86: {  	_ =	shalt  }
0x87: {  	_ =	shalt  }
.Lfunc_end0:
.L_simem_size_0:
called_computation_lowered:
.L_overlay_start_0:
0x88: {  	s2 =	sld [smem:$0x3FD9]  }
0x89: {  	s3 =	sld [smem:$0x3FFE];
	_ =	sdelay $0x1  }
0x8a: {  	s1 =	srdreg.scid  }
0x8b: {  	s0 =	sand.u32 $0x1, s1  }
0x8c: {  	s17 =	sshll.u32 s0, $0xA;
	s2 =	sadd.s32 s3, s2  }
0x8d: {  	s2 =	sadd.s32 s2, s17  }
0x8e: {  	[smem:$0x3FC3] =	sst s2  }
0x8f: {  	_ = 	snop  }
0x90: {  	s2 =	sld [smem:$0x3FC9]  }
0x91: {  	s18 =	sld [smem:$0x3FD0];
	(tm) =	ssettm $0x1  }
0x92: {  	s4 =	sld [smem:$0x3FFB];
	_ =	sdelay $0x3  }
0x93: {  	_ =	strace s4  }
0x94: {  	s4 =	sld [smem:$0x3FFC];
	_ =	sdelay $0x3  }
0x95: {  	_ =	strace s4  }
0x96: {  	s4 =	sld [smem:$0x3FFD];
	_ =	sdelay $0x3  }
0x97: {  	_ =	strace s4  }
0x98: {  	_ =	strace $0x8FFFFFFF  }
0x99: {  	s19 =	sld [smem:$0x3FDB];
	_ =	sdelay $0x1  }
0x9a: {  	s5 =	simm.s32 $_scs_section_size  }
0x9b: {  	s6 =	simm.s32 $_size__tile_overlayer_lowered;
	s7 =	simm.s32 $_tile_overlayer_lowered  }
0x9c: {  	s22 =	simm.s32 $0x1BFF;
	s21 =	sshll.u32 s7, $0x1;
	s4 =	sadd.s32 s5, s19  }
0x9d: {  	s8 =	simm.s32 $0x0;
	s20 =	sshll.u32 s6, $0x1;
	s6 =	sadd.s32 s21, s4  }
0x9e: {  	[timem:s8], [sflag:s22] =	dma.local [hbm:s6], s20  }
0x9f: {  	_ =	swait.ge [sflag:s22], s20  }
0xa0: {  	s5 =	ssub.s32 $0x0, s20;
	[sflag:s22] =	ssyncset.done $0x0  }
0xa1: {  	[sflag:s22] =	ssyncadd.s32 s5;
	_ =	sdelay $0x1  }
0xa2: {  	s23 =	simm.s32 $0x1B8B  }
0xa3: {  	_ =	swait.ge [sflag:s23], $0x1  }
0xa4: {  	[sflag:s23] =	ssyncset.done $0x0  }
0xa5: {  	s25 =	simm.s32 $0x1B8E;
	s24 =	sld [smem:$0x3FFE];
	[sflag:s23] =	ssyncadd.s32 $0xFFFFFFFF  }
0xa6: {  	s26 =	simm.s32 $execute0_lowered;
	[smem:$0x3FD2] =	sst s25  }
0xa7: {  	s6 =	sshll.u32 s26, $0x1;
	_ =	strace $0x80000046;
	[dreg:$0x1] =	wrdreg $0xFFFFFFFF  }
0xa8: {  	s28 =	simm.s32 $_size_execute0_lowered;
	s4 =	sadd.s32 s4, s6;
	[dreg:$0x0] =	wrdreg $0x0  }
0xa9: {  	s6 =	sshll.u32 s28, $0x1;
	[dreg:$0x2] =	wrdreg s4  }
0xaa: {  	[dreg:$0x3] =	wrdreg s6  }
0xab: {  	[dreg:$0x4] =	wrdreg $0xC0  }
0xac: {  	_ =	task [dreg:s8], $0x5FFFF  }
0xad: {  	[dreg:$0x1] =	wrdreg $0xFFFFFFFF  }
0xae: {  	[dreg:$0x0] =	wrdreg $0x60  }
0xaf: {  	[dreg:$0x2] =	wrdreg s2  }
0xb0: {  	[dreg:$0x3] =	wrdreg s24  }
0xb1: {  	[dreg:$0x4] =	wrdreg s18  }
0xb2: {  	[dreg:$0x5] =	wrdreg $0x9  }
0xb3: {  	_ =	task.clear_ibuf [dreg:s8], $0x6FFFF;
	_ =	strace $0x90000046  }
0xb4: {  	s29 =	simm.s32 $0x9;
	_ =	strace $0x80000048  }
0xb5: {  	_ =	swait.ge [sflag:s29], $0x1  }
0xb6: {  	[sflag:s29] =	ssyncadd.s32 $0xFFFFFFFF  }
0xb7: {  	_ =	strace $0x90000048  }
0xb8: {  	_ =	sfence  }
0xb9: {  	s30 =	sld [smem:$0x0];
	_ =	sdelay $0x2  }
0xba: {  	s31 =	sshll.u32 s1, $0xD;
	s1 =	sshrl.u32 s1, $0x2  }
0xbb: {  	s3 =	sand.u32 $0x4000, s31;
	s1 =	sadd.s32 s1, s30  }
0xbc: {  	s0 =	sor.u32 s3, s0;
	s1 =	sshll.u32 s1, $0x11  }
0xbd: {  	s0 =	sor.u32 s1, s0  }
0xbe: {  	s0 =	sadd.s32 $0x8F2B, s0  }
0xbf: {  	[sflag:s0] =	ssyncadd.remote.s32 $0x1  }
0xc0: {  	_ =	sfence.sel $0xFFFF  }
0xc1: {  	[dreg:$0x0] =	wrdreg $0xFFFFFFFF;
	(pc) =	sbr.abs _section_cstart, $3  }
0xc2: {  	[dreg:$0x1] =	wrdreg $0xFFFFFFFF  }
0xc3: {  	_ =	task.clear_ibuf [dreg:s8], $0x2FFFF;
	_ =	strace $0x9FFFFFFF  }
0xc4: {  	(tm) =	ssettm $0x7FFFFFFF  }
0xc5: {  	_ =	shalt  }
tec
execute0_lowered:
.L_overlay_start_1:
0x0: {  	(tag) =	ssettag $0x1  }
0x1: {  	s1 =	rddreg [dreg:$0x1];
	s0 =	simm.s32 $0x0  }
0x2: {  	s10 =	simm.s32 $0x8110;
	[smem:$0x7FF] =	sst s0  }
0x3: {  	s11 =	simm.s32 $0x8120;
	_ =	strace $0x80000047;
	[dreg:$0x4] =	wrdreg s10  }
0x4: {  	s8 =	stileid.u32;
	s12 =	simm.s32 $0x8130;
	[dreg:$0x5] =	wrdreg s11  }
0x5: {  	s2 =	srdreg.scid;
	s13 =	simm.s32 $0x8140;
	[dreg:$0x6] =	wrdreg s12  }
0x6: {  	s14 =	simm.s32 $0x8150;
	s16 =	simm.s32 $0x8160;
	[dreg:$0x7] =	wrdreg s13  }
0x7: {  	s17 =	simm.s32 $0x8170;
	s18 =	simm.s32 $0x8180;
	[dreg:$0x8] =	wrdreg s14  }
0x8: {  	s19 =	simm.s32 $0x8190;
	s20 =	simm.s32 $0x81A0;
	[dreg:$0x9] =	wrdreg s16  }
0x9: {  	s21 =	simm.s32 $0x81B0;
	s22 =	simm.s32 $0x81C0;
	[dreg:$0xa] =	wrdreg s17  }
0xa: {  	s23 =	simm.s32 $0x81D0;
	s24 =	simm.s32 $0x81E0;
	[dreg:$0xb] =	wrdreg s18  }
0xb: {  	s25 =	simm.s32 $0x81F0;
	s26 =	simm.s32 $0x8200;
	[dreg:$0xc] =	wrdreg s19  }
0xc: {  	s28 =	simm.s32 $0x82C0;
	s29 =	simm.s32 $0x82D0;
	[dreg:$0xd] =	wrdreg s20  }
0xd: {  	s30 =	simm.s32 $0x82E0;
	s31 =	simm.s32 $0x82F0;
	[dreg:$0xe] =	wrdreg s21  }
0xe: {  	s6 =	sadd.s32 $0x200, s1;
	s7 =	sshll.u32 s8, $0x7;
	[dreg:$0xf] =	wrdreg s22  }
0xf: {  	s2 =	sand.u32 $0x1, s2;
	s3 =	sshll.u32 s8, $0x1;
	[dreg:$0x10] =	wrdreg s23  }
0x10: {  	s0 =	sand.u32 $0x600, s7;
	s4 =	ssub.s32 $0x2, s2;
	[dreg:$0x11] =	wrdreg s24  }
0x11: {  	s3 =	sor.u32 s2, s3;
	p0 =	seq.s32 s2, $0x1;
	[dreg:$0x12] =	wrdreg s25  }
0x12: {  	s7 =	simm.s32 $0x1;
	s14 =	simm.s32 $0x8000;
	[dreg:$0x13] =	wrdreg s26  }
0x13: {  	s16 =	simm.s32 $0x8210;
	s17 =	simm.s32 $0x8220;
	s18 =	simm.s32 $0x8230  }
0x14: {  	s19 =	simm.s32 $0x8240;
	s20 =	simm.s32 $0x8250;
	s21 =	simm.s32 $0x8260  }
0x15: {  	s22 =	simm.s32 $0x8270;
	s23 =	simm.s32 $0x8280;
	s24 =	simm.s32 $0x8290  }
0x16: {  	s25 =	simm.s32 $0x82A0;
	s26 =	simm.s32 $0x82B0;
	s0 =	sadd.s32 s0, s1  }
0x17: {  	s5 =	sshrl.u32 s4, $0x1;
	p1 =	seq.s32 s3, $0x0;
	s3 =	sshll.u32 s3, $0x4  }
0x18: {  	s9 =	ssub.s32 s4, s5;
	p1 =	por !p1, !p0;
	s3 =	sand.u32 $0x70, s3  }
0x19: {  	s5 =	simm.s32 $0x1;
	p1 =	por !p1, !p1;
	s0 =	sadd.s32 s3, s0  }
.Ltmp0:
0x1a: {  	s2 =	smax.u32 s9, $0x1;
	s5 =	simm.s32 @!p1 $0x0;
	(pc) =	sbr.rel .LBB2_1-.Ltmp0, $4  }
0x1b: {  	s0 =	sadd.s32 $0x1200, s0;
	[dreg:$0x17] =	wrdreg s2;
	s15 =	ssub.s32 s8, s5  }
0x1c: {  	[dreg:$0x16] =	wrdreg s0;
	p1 =	sgt.s32 s15, $0x1;
	s5 =	smov.u32 s15  }
0x1d: {  	s1 =	simm.s32 $0x0;
	[dreg:$0x14] =	wrdreg s15;
	s5 =	simm.s32 @!p1 $0x1  }
0x1e: {  	v0 =	vimm.f32 $0.0e+00;
	p1 =	seq.s32 s15, $0x0;
	s15 =	simm.s32 $0x8100;
	[dreg:$0x15] =	wrdreg s5  }
.LBB2_7:
0x1f: {  	s0 =	rddreg [dreg:$0x16];
	s1 =	simm.s32 $0x80;
	s2 =	simm.s32 $0x400  }
0x20: {  	[hbm4b:s0+s1] =	stream.strided.scatter [tilespmem:s15], [sflag:$0x1], $0x200, s2, s1, $0x38;
	[tilespmem:$0x8400] =	vst v63  }
0x21: {  	_ =	swait.ge [sflag:s7], $0x200  }
0x22: {  	s12 =	rddreg [dreg:$0x18]  }
0x23: {  	s13 =	rddreg [dreg:$0x17];
	s1 =	sadd.s32 $0x1, s12  }
0x24: {  	p2 =	sne.s32 s1, s13  }
.Ltmp1:
0x25: {  	_ = 	snop;
	(pc) =	sbr.rel @!p2 .LBB2_8-.Ltmp1, $3  }
0x26: {  	_ =	sdelay $0x1  }
0x27: {  	[sflag:s7] =	ssyncset.done $0x0  }
0x28: {  	[sflag:s7] =	ssyncadd.s32 $0xFFFFFE00  }
.LBB2_1:
0x29: {  	[dreg:$0x18] =	wrdreg s1  }
0x2a: {  	s0 =	rddreg [dreg:$0x2];
	s13 =	simm.s32 $0x0;
	s2 =	simm.s32 $0x8300  }
0x2b: {  	[tilespmem:s2], [sflag:$0x1] =	stream.linear.gather [hbm4b:s0+s13], $0x80, $0x38;
	[tilespmem:$0x8400] =	vst v63  }
0x2c: {  	_ =	swait.ge [sflag:s7], $0x80  }
0x2d: {  	[sflag:s7] =	ssyncset.done $0x0  }
0x2e: {  	[sflag:s7] =	ssyncadd.s32 $0xFFFFFF80  }
0x2f: {  	s4 =	simm.s32 $0x8380;
	s3 =	rddreg [dreg:$0x1]  }
0x30: {  	[tilespmem:s4], [sflag:$0x1] =	stream.linear.gather [hbm4b:s3+s13], $0x10, $0x38;
	[tilespmem:$0x8400] =	vst v63  }
0x31: {  	_ =	swait.ge [sflag:s7], $0x10  }
0x32: {  	[sflag:s7] =	ssyncset.done $0x0  }
0x33: {  	[sflag:s7] =	ssyncadd.s32 $0xFFFFFFF0  }
0x34: {  	[tilespmem:$0x8100] =	vst v0  }
0x35: {  	[tilespmem:$0x8110] =	vst v0  }
0x36: {  	[tilespmem:$0x8120] =	vst v0  }
0x37: {  	[tilespmem:$0x8130] =	vst v0  }
0x38: {  	[tilespmem:$0x8140] =	vst v0  }
0x39: {  	[tilespmem:$0x8150] =	vst v0  }
0x3a: {  	[tilespmem:$0x8160] =	vst v0  }
0x3b: {  	[tilespmem:$0x8170] =	vst v0  }
0x3c: {  	[tilespmem:$0x8180] =	vst v0  }
0x3d: {  	[tilespmem:$0x8190] =	vst v0  }
0x3e: {  	[tilespmem:$0x81A0] =	vst v0  }
0x3f: {  	[tilespmem:$0x81B0] =	vst v0  }
0x40: {  	[tilespmem:$0x81C0] =	vst v0  }
0x41: {  	[tilespmem:$0x81D0] =	vst v0  }
0x42: {  	[tilespmem:$0x81E0] =	vst v0  }
0x43: {  	[tilespmem:$0x81F0] =	vst v0  }
0x44: {  	[tilespmem:$0x8200] =	vst v0  }
0x45: {  	[tilespmem:$0x8210] =	vst v0  }
0x46: {  	[tilespmem:$0x8220] =	vst v0  }
0x47: {  	[tilespmem:$0x8230] =	vst v0  }
0x48: {  	[tilespmem:$0x8240] =	vst v0  }
0x49: {  	[tilespmem:$0x8250] =	vst v0  }
0x4a: {  	[tilespmem:$0x8260] =	vst v0  }
0x4b: {  	[tilespmem:$0x8270] =	vst v0  }
0x4c: {  	[tilespmem:$0x8280] =	vst v0  }
0x4d: {  	[tilespmem:$0x8290] =	vst v0  }
0x4e: {  	[tilespmem:$0x82A0] =	vst v0  }
0x4f: {  	[tilespmem:$0x82B0] =	vst v0  }
0x50: {  	[tilespmem:$0x82C0] =	vst v0  }
0x51: {  	[tilespmem:$0x82D0] =	vst v0  }
0x52: {  	[tilespmem:$0x82E0] =	vst v0  }
0x53: {  	s5 =	rddreg [dreg:$0x14];
	[tilespmem:$0x82F0] =	vst v0  }
0x54: {  	s8 =	rddreg [dreg:$0x15];
	v1 =	vld [tilespmem:s5+$0x8380]  }
0x55: {  	v2 =	vld [tilespmem:s8+$0x837F];
	_ =	sdelay $0x3  }
0x56: {  	(v2sf) =	vpush v1, $0x0  }
0x57: {  	(v2sf) =	vpush v2, $0x0;
	_ =	sdelay $0xd  }
0x58: {  	s0 =	spop (v2sf)  }
0x59: {  	s2 =	spop (v2sf)  }
0x5a: {  	p2 =	slt.s32 s2, $0x8000  }
0x5b: {  	p3 =	slt.s32 s0, $0x8000;
	s2 =	simm.s32 @!p2 $0x8000  }
0x5c: {  	s0 =	simm.s32 @!p3 $0x8000;
	s2 =	simm.s32 @p1 $0x0  }
0x5d: {  	s3 =	ssub.s32 s0, s2  }
0x5e: {  	s4 =	sadd.s32 $0x1, s3;
	p2 =	slt.u32 s3, $0x7FFFFFFF;
	s3 =	simm.s32 $0x1  }
0x5f: {  	s3 =	simm.s32 @!p2 $0x0;
	s5 =	sshra.s32 s4, $0x1F  }
0x60: {  	s9 =	sand.u32 $0x1, s4;
	s3 =	sadd.s32 s3, s5  }
0x61: {  	p4 =	seq.s32 s9, $0x1;
	p3 =	sne.s32 s3, $0x1  }
0x62: {  	s10 =	sshrl.u32 s4, $0x1F;
	p2 =	por !p3, !p4  }
0x63: {  	s3 =	sadd.s32 s10, s4;
	s4 =	simm.s32 $0x1;
	p2 =	por !p2, !p2  }
0x64: {  	s3 =	sshra.s32 s3, $0x1;
	s4 =	simm.s32 @!p2 $0x0  }
0x65: {  	s3 =	ssub.s32 s3, s4  }
0x66: {  	s4 =	smov.u32 s3  }
0x67: {  	s4 =	simm.s32 @!p0 $0x0  }
0x68: {  	s2 =	sadd.s32 s2, s4  }
0x69: {  	s4 =	sand.u32 $0x3F, s2  }
0x6a: {  	s11 =	sshra.s32 s2, $0x1F;
	p5 =	slt.s32 s2, $0x1;
	p6 =	sne.s32 s4, $0x0  }
.Ltmp2:
0x6b: {  	s12 =	sshrl.u32 s11, $0x1A;
	p2 =	por !p5, !p6;
	(pc) =	sbr.rel .LBB2_2-.Ltmp2, $4  }
0x6c: {  	s5 =	simm.s32 $0x1;
	s4 =	sadd.s32 s12, s2;
	p2 =	por !p2, !p2  }
0x6d: {  	s12 =	sadd.s32 s3, s2;
	s13 =	sshra.s32 s4, $0x6;
	s5 =	simm.s32 @!p2 $0x0  }
0x6e: {  	p2 =	slt.s32 s0, s12;
	s13 =	ssub.s32 s13, s5  }
0x6f: {  	v1 =	vld [tilespmem:$0x8300];
	s4 =	simm.s32 $0x0;
	s12 =	smov.u32 @p2 s0;
	s9 =	sshll.u32 s13, $0x6  }
.LBB2_6:
0x70: {  	s4 =	sadd.s32 $0x1, s4  }
0x71: {  	p2 =	sne.s32 s4, $0x21  }
.Ltmp3:
0x72: {  	_ = 	snop;
	(pc) =	sbr.rel @!p2 .LBB2_7-.Ltmp3, $2  }
0x73: {  	_ =	sdelay $0x2  }
0x74: {  	s9 =	sadd.s32 $0x40, s9  }
.LBB2_2:
0x75: {  	s3 =	sadd.s32 s4, s13  }
0x76: {  	s0 =	sshll.u32 s3, $0x6  }
0x77: {  	p2 =	sge.s32 s0, s12  }
.Ltmp4:
0x78: {  	_ = 	snop;
	(pc) =	sbr.rel @p2 .LBB2_6-.Ltmp4, $1  }
0x79: {  	_ =	sdelay $0x3  }
0x7a: {  	s3 =	sshll.u32 s3, $0xC  }
0x7b: {  	s1 =	rddreg [dreg:$0x0];
	s3 =	sand.u32 $0x1FFFF000, s3  }
0x7c: {  	s5 =	simm.s32 $0x0;
	s3 =	sadd.s32 s1, s3  }
0x7d: {  	[tilespmem:s5], [sflag:$0x1] =	stream.linear.gather [hbm4b:s3+s5], $0x8000, $0x38;
	[tilespmem:$0x8400] =	vst v63  }
0x7e: {  	_ =	swait.ge [sflag:s7], $0x8000  }
0x7f: {  	s0 =	sshrl.u32 s0, $0x3;
	[sflag:s7] =	ssyncset.done $0x0  }
0x80: {  	s0 =	sadd.s32 s6, s0;
	[sflag:s7] =	ssyncadd.s32 $0xFFFF8000  }
0x81: {  	[tilespmem:s14], [sflag:$0x1] =	stream.linear.gather [hbm4b:s0+s5], $0x40, $0x38;
	[tilespmem:$0x8400] =	vst v63  }
0x82: {  	_ =	swait.ge [sflag:s7], $0x40  }
0x83: {  	[sflag:s7] =	ssyncset.done $0x0  }
0x84: {  	[sflag:s7] =	ssyncadd.s32 $0xFFFFFFC0  }
0x85: {  	v2 =	vld [tilespmem:$0x8000]  }
0x86: {  	v3 =	vld [tilespmem:$0x8010]  }
0x87: {  	v4 =	vld [tilespmem:$0x8020]  }
0x88: {  	v5 =	vld [tilespmem:$0x8030];
	_ =	sdelay $0x1  }
0x89: {  	v2 =	vsub.f32 v2, v1  }
0x8a: {  	v3 =	vsub.f32 v3, v1  }
0x8b: {  	v4 =	vsub.f32 v4, v1;
	v2 =	vmul.f32 $1.442695020e+00, v2  }
0x8c: {  	v5 =	vsub.f32 v5, v1;
	v3 =	vmul.f32 $1.442695020e+00, v3  }
0x8d: {  	(erf) = vpow2.f32 v2;
	v2 =	vmul.f32 $1.442695020e+00, v4  }
0x8e: {  	(erf) = vpow2.f32 v3;
	v3 =	vmul.f32 $1.442695020e+00, v5  }
0x8f: {  	(erf) = vpow2.f32 v2  }
0x90: {  	(erf) = vpow2.f32 v3;
	_ =	sdelay $0x5  }
0x91: {  	v2 =	vpop (erf)  }
0x92: {  	v3 =	vpop (erf);
	[tilespmem:$0x8080] =	vst v2  }
0x93: {  	v2 =	vpop (erf);
	[tilespmem:$0x8090] =	vst v3  }
0x94: {  	[tilespmem:$0x80A0] =	vst v2;
	v2 =	vpop (erf)  }
0x95: {  	s10 =	simm.s32 $0x8080;
	[tilespmem:$0x80B0] =	vst v2  }
0x96: {  	v2 =	vld [tilespmem:s10+$0x0];
	_ =	sdelay $0x4  }
0x97: {  	(v2sf) =	vpush v2, $0x0;
	_ =	sdelay $0xa  }
0x98: {  	s8 =	sand.u32 $0x380, s5;
	s3 =	sand.u32 $0x7000, s5  }
0x99: {  	s0 =	sor.u32 s8, s3  }
0x9a: {  	v2 =	vld [tilespmem:s0+$0x0];
	_ =	sdelay $0x1  }
0x9b: {  	p2 =	slt.s32 s9, s12;
	s3 =	spop (v2sf)  }
0x9c: {  	p3 =	sge.s32 s9, s2;
	s3 =	simm.s32 @!p2 $0x0  }
0x9d: {  	s3 =	simm.s32 @!p3 $0x0  }
0x9e: {  	v2 =	vmul.f32 s3, v2;
	_ =	sdelay $0x1  }
0x9f: {  	[tilespmem:s15+$0x0] =	vst.add.f32.msk $0xffff, v2  }
0xa0: {  	v2 =	vld [tilespmem:s0+$0x10];
	_ =	sdelay $0x4  }
0xa1: {  	v2 =	vmul.f32 s3, v2  }
0xa2: {  	s8 =	rddreg [dreg:$0x4]  }
0xa3: {  	[tilespmem:s8+$0x0] =	vst.add.f32.msk $0xffff, v2  }
0xa4: {  	v2 =	vld [tilespmem:s0+$0x20];
	_ =	sdelay $0x4  }
0xa5: {  	v2 =	vmul.f32 s3, v2  }
0xa6: {  	s11 =	rddreg [dreg:$0x5]  }
0xa7: {  	[tilespmem:s11+$0x0] =	vst.add.f32.msk $0xffff, v2  }
0xa8: {  	v2 =	vld [tilespmem:s0+$0x30];
	_ =	sdelay $0x4  }
0xa9: {  	v2 =	vmul.f32 s3, v2  }
0xaa: {  	s1 =	rddreg [dreg:$0x6]  }
0xab: {  	[tilespmem:s1+$0x0] =	vst.add.f32.msk $0xffff, v2  }
0xac: {  	v2 =	vld [tilespmem:s0+$0x40];
	_ =	sdelay $0x4  }
0xad: {  	v2 =	vmul.f32 s3, v2  }
0xae: {  	s11 =	rddreg [dreg:$0x7]  }
0xaf: {  	[tilespmem:s11+$0x0] =	vst.add.f32.msk $0xffff, v2  }
0xb0: {  	v2 =	vld [tilespmem:s0+$0x50];
	_ =	sdelay $0x4  }
0xb1: {  	v2 =	vmul.f32 s3, v2  }
0xb2: {  	s1 =	rddreg [dreg:$0x8]  }
0xb3: {  	[tilespmem:s1+$0x0] =	vst.add.f32.msk $0xffff, v2  }
0xb4: {  	v2 =	vld [tilespmem:s0+$0x60];
	_ =	sdelay $0x4  }
0xb5: {  	v2 =	vmul.f32 s3, v2  }
0xb6: {  	s11 =	rddreg [dreg:$0x9]  }
0xb7: {  	[tilespmem:s11+$0x0] =	vst.add.f32.msk $0xffff, v2  }
0xb8: {  	v2 =	vld [tilespmem:s0+$0x70];
	_ =	sdelay $0x4  }
0xb9: {  	v2 =	vmul.f32 s3, v2  }
0xba: {  	s1 =	rddreg [dreg:$0xa]  }
0xbb: {  	[tilespmem:s1+$0x0] =	vst.add.f32.msk $0xffff, v2  }
0xbc: {  	v2 =	vld [tilespmem:s0+$0x400];
	_ =	sdelay $0x4  }
0xbd: {  	v2 =	vmul.f32 s3, v2  }
0xbe: {  	s11 =	rddreg [dreg:$0xb]  }
0xbf: {  	[tilespmem:s11+$0x0] =	vst.add.f32.msk $0xffff, v2  }
0xc0: {  	v2 =	vld [tilespmem:s0+$0x410];
	_ =	sdelay $0x4  }
0xc1: {  	v2 =	vmul.f32 s3, v2  }
0xc2: {  	s1 =	rddreg [dreg:$0xc]  }
0xc3: {  	[tilespmem:s1+$0x0] =	vst.add.f32.msk $0xffff, v2  }
0xc4: {  	v2 =	vld [tilespmem:s0+$0x420];
	_ =	sdelay $0x4  }
0xc5: {  	v2 =	vmul.f32 s3, v2  }
0xc6: {  	s11 =	rddreg [dreg:$0xd]  }
0xc7: {  	[tilespmem:s11+$0x0] =	vst.add.f32.msk $0xffff, v2  }
0xc8: {  	v2 =	vld [tilespmem:s0+$0x430];
	_ =	sdelay $0x4  }
0xc9: {  	v2 =	vmul.f32 s3, v2  }
0xca: {  	s1 =	rddreg [dreg:$0xe]  }
0xcb: {  	[tilespmem:s1+$0x0] =	vst.add.f32.msk $0xffff, v2  }
0xcc: {  	v2 =	vld [tilespmem:s0+$0x440];
	_ =	sdelay $0x4  }
0xcd: {  	v2 =	vmul.f32 s3, v2  }
0xce: {  	s11 =	rddreg [dreg:$0xf]  }
0xcf: {  	[tilespmem:s11+$0x0] =	vst.add.f32.msk $0xffff, v2  }
0xd0: {  	v2 =	vld [tilespmem:s0+$0x450];
	_ =	sdelay $0x4  }
0xd1: {  	v2 =	vmul.f32 s3, v2  }
0xd2: {  	s1 =	rddreg [dreg:$0x10]  }
0xd3: {  	[tilespmem:s1+$0x0] =	vst.add.f32.msk $0xffff, v2  }
0xd4: {  	v2 =	vld [tilespmem:s0+$0x460];
	_ =	sdelay $0x4  }
0xd5: {  	v2 =	vmul.f32 s3, v2  }
0xd6: {  	s11 =	rddreg [dreg:$0x11]  }
0xd7: {  	[tilespmem:s11+$0x0] =	vst.add.f32.msk $0xffff, v2  }
0xd8: {  	v2 =	vld [tilespmem:s0+$0x470];
	_ =	sdelay $0x4  }
0xd9: {  	v2 =	vmul.f32 s3, v2  }
0xda: {  	s1 =	rddreg [dreg:$0x12]  }
0xdb: {  	[tilespmem:s1+$0x0] =	vst.add.f32.msk $0xffff, v2  }
0xdc: {  	v2 =	vld [tilespmem:s0+$0x800];
	_ =	sdelay $0x4  }
0xdd: {  	v2 =	vmul.f32 s3, v2  }
0xde: {  	s11 =	rddreg [dreg:$0x13]  }
0xdf: {  	[tilespmem:s11+$0x0] =	vst.add.f32.msk $0xffff, v2  }
0xe0: {  	v2 =	vld [tilespmem:s0+$0x810];
	_ =	sdelay $0x4  }
0xe1: {  	v2 =	vmul.f32 s3, v2;
	_ =	sdelay $0x1  }
0xe2: {  	[tilespmem:s16+$0x0] =	vst.add.f32.msk $0xffff, v2  }
0xe3: {  	v2 =	vld [tilespmem:s0+$0x820];
	_ =	sdelay $0x4  }
0xe4: {  	v2 =	vmul.f32 s3, v2;
	_ =	sdelay $0x1  }
0xe5: {  	[tilespmem:s17+$0x0] =	vst.add.f32.msk $0xffff, v2  }
0xe6: {  	v2 =	vld [tilespmem:s0+$0x830];
	_ =	sdelay $0x4  }
0xe7: {  	v2 =	vmul.f32 s3, v2;
	_ =	sdelay $0x1  }
0xe8: {  	[tilespmem:s18+$0x0] =	vst.add.f32.msk $0xffff, v2  }
0xe9: {  	v2 =	vld [tilespmem:s0+$0x840];
	_ =	sdelay $0x4  }
0xea: {  	v2 =	vmul.f32 s3, v2;
	_ =	sdelay $0x1  }
0xeb: {  	[tilespmem:s19+$0x0] =	vst.add.f32.msk $0xffff, v2  }
0xec: {  	v2 =	vld [tilespmem:s0+$0x850];
	_ =	sdelay $0x4  }
0xed: {  	v2 =	vmul.f32 s3, v2;
	_ =	sdelay $0x1  }
0xee: {  	[tilespmem:s20+$0x0] =	vst.add.f32.msk $0xffff, v2  }
0xef: {  	v2 =	vld [tilespmem:s0+$0x860];
	_ =	sdelay $0x4  }
0xf0: {  	v2 =	vmul.f32 s3, v2;
	_ =	sdelay $0x1  }
0xf1: {  	[tilespmem:s21+$0x0] =	vst.add.f32.msk $0xffff, v2  }
0xf2: {  	v2 =	vld [tilespmem:s0+$0x870];
	_ =	sdelay $0x4  }
0xf3: {  	v2 =	vmul.f32 s3, v2;
	_ =	sdelay $0x1  }
0xf4: {  	[tilespmem:s22+$0x0] =	vst.add.f32.msk $0xffff, v2  }
0xf5: {  	v2 =	vld [tilespmem:s0+$0xC00];
	_ =	sdelay $0x4  }
0xf6: {  	v2 =	vmul.f32 s3, v2;
	_ =	sdelay $0x1  }
0xf7: {  	[tilespmem:s23+$0x0] =	vst.add.f32.msk $0xffff, v2  }
0xf8: {  	v2 =	vld [tilespmem:s0+$0xC10];
	_ =	sdelay $0x4  }
0xf9: {  	v2 =	vmul.f32 s3, v2;
	_ =	sdelay $0x1  }
0xfa: {  	[tilespmem:s24+$0x0] =	vst.add.f32.msk $0xffff, v2  }
0xfb: {  	v2 =	vld [tilespmem:s0+$0xC20];
	_ =	sdelay $0x4  }
0xfc: {  	v2 =	vmul.f32 s3, v2;
	_ =	sdelay $0x1  }
0xfd: {  	[tilespmem:s25+$0x0] =	vst.add.f32.msk $0xffff, v2  }
0xfe: {  	v2 =	vld [tilespmem:s0+$0xC30];
	_ =	sdelay $0x4  }
0xff: {  	v2 =	vmul.f32 s3, v2;
	_ =	sdelay $0x1  }
0x100: {  	[tilespmem:s26+$0x0] =	vst.add.f32.msk $0xffff, v2  }
0x101: {  	v2 =	vld [tilespmem:s0+$0xC40];
	_ =	sdelay $0x4  }
0x102: {  	v2 =	vmul.f32 s3, v2;
	_ =	sdelay $0x1  }
0x103: {  	[tilespmem:s28+$0x0] =	vst.add.f32.msk $0xffff, v2  }
0x104: {  	v2 =	vld [tilespmem:s0+$0xC50];
	_ =	sdelay $0x4  }
0x105: {  	v2 =	vmul.f32 s3, v2;
	_ =	sdelay $0x1  }
0x106: {  	[tilespmem:s29+$0x0] =	vst.add.f32.msk $0xffff, v2  }
0x107: {  	v2 =	vld [tilespmem:s0+$0xC60];
	_ =	sdelay $0x4  }
0x108: {  	v2 =	vmul.f32 s3, v2;
	_ =	sdelay $0x1  }
0x109: {  	[tilespmem:s30+$0x0] =	vst.add.f32.msk $0xffff, v2  }
0x10a: {  	v2 =	vld [tilespmem:s0+$0xC70];
	_ =	sdelay $0x4  }
0x10b: {  	s11 =	simm.s32 $0x200;
	s0 =	smov.u32 s9;
	v2 =	vmul.f32 s3, v2  }
.LBB2_4:
0x10c: {  	_ = 	snop  }
0x10d: {  	s10 =	sadd.s32 $0x1, s10;
	[tilespmem:s31+$0x0] =	vst.add.f32.msk $0xffff, v2  }
0x10e: {  	v2 =	vld [tilespmem:s10+$0x0];
	_ =	sdelay $0x4  }
0x10f: {  	(v2sf) =	vpush v2, $0x0;
	_ =	sdelay $0x9  }
0x110: {  	s5 =	sadd.s32 $0x80, s5;
	s3 =	smov.u32 s11  }
0x111: {  	s3 =	sand.u32 $0x7000, s3;
	s8 =	sand.u32 $0x380, s5  }
0x112: {  	s3 =	sor.u32 s8, s3  }
0x113: {  	v2 =	vld [tilespmem:s3+$0x0]  }
0x114: {  	s0 =	sadd.s32 $0x1, s0  }
0x115: {  	p3 =	slt.s32 s0, s12;
	s8 =	spop (v2sf)  }
0x116: {  	p4 =	sge.s32 s0, s2;
	s8 =	simm.s32 @!p3 $0x0  }
0x117: {  	s8 =	simm.s32 @!p4 $0x0  }
0x118: {  	v2 =	vmul.f32 s8, v2;
	_ =	sdelay $0x1  }
0x119: {  	[tilespmem:s15+$0x0] =	vst.add.f32.msk $0xffff, v2  }
0x11a: {  	v2 =	vld [tilespmem:s3+$0x10];
	_ =	sdelay $0x4  }
0x11b: {  	v2 =	vmul.f32 s8, v2  }
0x11c: {  	s1 =	rddreg [dreg:$0x4]  }
0x11d: {  	[tilespmem:s1+$0x0] =	vst.add.f32.msk $0xffff, v2  }
0x11e: {  	v2 =	vld [tilespmem:s3+$0x20];
	_ =	sdelay $0x4  }
0x11f: {  	v2 =	vmul.f32 s8, v2  }
0x120: {  	s1 =	rddreg [dreg:$0x5]  }
0x121: {  	[tilespmem:s1+$0x0] =	vst.add.f32.msk $0xffff, v2  }
0x122: {  	v2 =	vld [tilespmem:s3+$0x30];
	_ =	sdelay $0x4  }
0x123: {  	v2 =	vmul.f32 s8, v2  }
0x124: {  	s1 =	rddreg [dreg:$0x6]  }
0x125: {  	[tilespmem:s1+$0x0] =	vst.add.f32.msk $0xffff, v2  }
0x126: {  	v2 =	vld [tilespmem:s3+$0x40];
	_ =	sdelay $0x4  }
0x127: {  	v2 =	vmul.f32 s8, v2  }
0x128: {  	s1 =	rddreg [dreg:$0x7]  }
0x129: {  	[tilespmem:s1+$0x0] =	vst.add.f32.msk $0xffff, v2  }
0x12a: {  	v2 =	vld [tilespmem:s3+$0x50];
	_ =	sdelay $0x4  }
0x12b: {  	v2 =	vmul.f32 s8, v2  }
0x12c: {  	s1 =	rddreg [dreg:$0x8]  }
0x12d: {  	[tilespmem:s1+$0x0] =	vst.add.f32.msk $0xffff, v2  }
0x12e: {  	v2 =	vld [tilespmem:s3+$0x60];
	_ =	sdelay $0x4  }
0x12f: {  	v2 =	vmul.f32 s8, v2  }
0x130: {  	s1 =	rddreg [dreg:$0x9]  }
0x131: {  	[tilespmem:s1+$0x0] =	vst.add.f32.msk $0xffff, v2  }
0x132: {  	v2 =	vld [tilespmem:s3+$0x70];
	_ =	sdelay $0x4  }
0x133: {  	v2 =	vmul.f32 s8, v2  }
0x134: {  	s1 =	rddreg [dreg:$0xa]  }
0x135: {  	[tilespmem:s1+$0x0] =	vst.add.f32.msk $0xffff, v2  }
0x136: {  	v2 =	vld [tilespmem:s3+$0x400];
	_ =	sdelay $0x4  }
0x137: {  	v2 =	vmul.f32 s8, v2  }
0x138: {  	s1 =	rddreg [dreg:$0xb]  }
0x139: {  	[tilespmem:s1+$0x0] =	vst.add.f32.msk $0xffff, v2  }
0x13a: {  	v2 =	vld [tilespmem:s3+$0x410];
	_ =	sdelay $0x4  }
0x13b: {  	v2 =	vmul.f32 s8, v2  }
0x13c: {  	s1 =	rddreg [dreg:$0xc]  }
0x13d: {  	[tilespmem:s1+$0x0] =	vst.add.f32.msk $0xffff, v2  }
0x13e: {  	v2 =	vld [tilespmem:s3+$0x420];
	_ =	sdelay $0x4  }
0x13f: {  	v2 =	vmul.f32 s8, v2  }
0x140: {  	s1 =	rddreg [dreg:$0xd]  }
0x141: {  	[tilespmem:s1+$0x0] =	vst.add.f32.msk $0xffff, v2  }
0x142: {  	v2 =	vld [tilespmem:s3+$0x430];
	_ =	sdelay $0x4  }
0x143: {  	v2 =	vmul.f32 s8, v2  }
0x144: {  	s1 =	rddreg [dreg:$0xe]  }
0x145: {  	[tilespmem:s1+$0x0] =	vst.add.f32.msk $0xffff, v2  }
0x146: {  	v2 =	vld [tilespmem:s3+$0x440];
	_ =	sdelay $0x4  }
0x147: {  	v2 =	vmul.f32 s8, v2  }
0x148: {  	s1 =	rddreg [dreg:$0xf]  }
0x149: {  	[tilespmem:s1+$0x0] =	vst.add.f32.msk $0xffff, v2  }
0x14a: {  	v2 =	vld [tilespmem:s3+$0x450];
	_ =	sdelay $0x4  }
0x14b: {  	v2 =	vmul.f32 s8, v2  }
0x14c: {  	s1 =	rddreg [dreg:$0x10]  }
0x14d: {  	[tilespmem:s1+$0x0] =	vst.add.f32.msk $0xffff, v2  }
0x14e: {  	v2 =	vld [tilespmem:s3+$0x460];
	_ =	sdelay $0x4  }
0x14f: {  	v2 =	vmul.f32 s8, v2  }
0x150: {  	s1 =	rddreg [dreg:$0x11]  }
0x151: {  	[tilespmem:s1+$0x0] =	vst.add.f32.msk $0xffff, v2  }
0x152: {  	v2 =	vld [tilespmem:s3+$0x470];
	_ =	sdelay $0x4  }
0x153: {  	v2 =	vmul.f32 s8, v2  }
0x154: {  	s1 =	rddreg [dreg:$0x12]  }
0x155: {  	[tilespmem:s1+$0x0] =	vst.add.f32.msk $0xffff, v2  }
0x156: {  	v2 =	vld [tilespmem:s3+$0x800];
	_ =	sdelay $0x4  }
0x157: {  	v2 =	vmul.f32 s8, v2  }
0x158: {  	s1 =	rddreg [dreg:$0x13]  }
0x159: {  	[tilespmem:s1+$0x0] =	vst.add.f32.msk $0xffff, v2  }
0x15a: {  	v2 =	vld [tilespmem:s3+$0x810];
	_ =	sdelay $0x4  }
0x15b: {  	v2 =	vmul.f32 s8, v2;
	_ =	sdelay $0x1  }
0x15c: {  	[tilespmem:s16+$0x0] =	vst.add.f32.msk $0xffff, v2  }
0x15d: {  	v2 =	vld [tilespmem:s3+$0x820];
	_ =	sdelay $0x4  }
0x15e: {  	v2 =	vmul.f32 s8, v2;
	_ =	sdelay $0x1  }
0x15f: {  	[tilespmem:s17+$0x0] =	vst.add.f32.msk $0xffff, v2  }
0x160: {  	v2 =	vld [tilespmem:s3+$0x830];
	_ =	sdelay $0x4  }
0x161: {  	v2 =	vmul.f32 s8, v2;
	_ =	sdelay $0x1  }
0x162: {  	[tilespmem:s18+$0x0] =	vst.add.f32.msk $0xffff, v2  }
0x163: {  	v2 =	vld [tilespmem:s3+$0x840];
	_ =	sdelay $0x4  }
0x164: {  	v2 =	vmul.f32 s8, v2;
	_ =	sdelay $0x1  }
0x165: {  	[tilespmem:s19+$0x0] =	vst.add.f32.msk $0xffff, v2  }
0x166: {  	v2 =	vld [tilespmem:s3+$0x850];
	_ =	sdelay $0x4  }
0x167: {  	v2 =	vmul.f32 s8, v2;
	_ =	sdelay $0x1  }
0x168: {  	[tilespmem:s20+$0x0] =	vst.add.f32.msk $0xffff, v2  }
0x169: {  	v2 =	vld [tilespmem:s3+$0x860];
	_ =	sdelay $0x4  }
0x16a: {  	v2 =	vmul.f32 s8, v2;
	_ =	sdelay $0x1  }
0x16b: {  	[tilespmem:s21+$0x0] =	vst.add.f32.msk $0xffff, v2  }
0x16c: {  	v2 =	vld [tilespmem:s3+$0x870];
	_ =	sdelay $0x4  }
0x16d: {  	v2 =	vmul.f32 s8, v2;
	_ =	sdelay $0x1  }
0x16e: {  	[tilespmem:s22+$0x0] =	vst.add.f32.msk $0xffff, v2  }
0x16f: {  	v2 =	vld [tilespmem:s3+$0xC00];
	_ =	sdelay $0x4  }
0x170: {  	v2 =	vmul.f32 s8, v2;
	_ =	sdelay $0x1  }
0x171: {  	[tilespmem:s23+$0x0] =	vst.add.f32.msk $0xffff, v2  }
0x172: {  	v2 =	vld [tilespmem:s3+$0xC10];
	_ =	sdelay $0x4  }
0x173: {  	v2 =	vmul.f32 s8, v2;
	_ =	sdelay $0x1  }
0x174: {  	[tilespmem:s24+$0x0] =	vst.add.f32.msk $0xffff, v2  }
0x175: {  	v2 =	vld [tilespmem:s3+$0xC20];
	_ =	sdelay $0x4  }
0x176: {  	v2 =	vmul.f32 s8, v2;
	_ =	sdelay $0x1  }
0x177: {  	[tilespmem:s25+$0x0] =	vst.add.f32.msk $0xffff, v2  }
0x178: {  	v2 =	vld [tilespmem:s3+$0xC30];
	_ =	sdelay $0x4  }
0x179: {  	v2 =	vmul.f32 s8, v2;
	_ =	sdelay $0x1  }
0x17a: {  	[tilespmem:s26+$0x0] =	vst.add.f32.msk $0xffff, v2  }
0x17b: {  	v2 =	vld [tilespmem:s3+$0xC40];
	_ =	sdelay $0x4  }
0x17c: {  	v2 =	vmul.f32 s8, v2;
	_ =	sdelay $0x1  }
0x17d: {  	[tilespmem:s28+$0x0] =	vst.add.f32.msk $0xffff, v2  }
0x17e: {  	v2 =	vld [tilespmem:s3+$0xC50];
	_ =	sdelay $0x4  }
0x17f: {  	v2 =	vmul.f32 s8, v2;
	_ =	sdelay $0x1  }
0x180: {  	[tilespmem:s29+$0x0] =	vst.add.f32.msk $0xffff, v2  }
0x181: {  	v2 =	vld [tilespmem:s3+$0xC60];
	_ =	sdelay $0x4  }
0x182: {  	v2 =	vmul.f32 s8, v2;
	_ =	sdelay $0x1  }
0x183: {  	[tilespmem:s30+$0x0] =	vst.add.f32.msk $0xffff, v2  }
0x184: {  	p2 =	sne.s32 s11, $0x7E00;
	v2 =	vld [tilespmem:s3+$0xC70]  }
.Ltmp5:
0x185: {  	_ = 	snop;
	(pc) =	sbr.rel @p2 .LBB2_4-.Ltmp5, $2  }
0x186: {  	_ =	sdelay $0x2  }
0x187: {  	s11 =	sadd.s32 $0x200, s11;
	v2 =	vmul.f32 s8, v2  }
.Ltmp6:
0x188: {  	(pc) =	sbr.rel .LBB2_6-.Ltmp6, $2  }
0x189: {  	_ =	sdelay $0x2  }
0x18a: {  	[tilespmem:s31+$0x0] =	vst.add.f32.msk $0xffff, v2  }
.LBB2_8:
0x18b: {  	_ =	sfence.sel $0x180000  }
0x18c: {  	[bflag:$0x0] =	sbarrier.arrive $0xFFFF  }
0x18d: {  	_ =	strace $0x90000047  }
0x18e: {  	s0 =	stileid.u32;
	[bflag:$0x2] =	sbarrier.arrive $0xFFFF  }
0x18f: {  	p0 =	sne.s32 s0, $0x0;
	s0 =	rddreg [dreg:$0x3]  }
0x190: {  	s0 =	sadd.s32 @!p0 $0x100000, s0  }
0x191: {  	[sflag:s0] =	ssyncadd.tile.s32 @!p0 $0x1;
	_ =	shalt  }
.Lfunc_end2:
_tile_overlayer_lowered:
.L_overlay_start_2:
0x192: {  	(tag) =	ssettag $0x2  }
0x193: {  	s0 =	rddreg [dreg:$0x0];
	s2 =	stileid.u32  }
0x194: {  	s1 =	rddreg [dreg:$0x1];
	p0 =	sne.s32 s2, $0x0  }
0x195: {  	s3 =	rddreg [dreg:$0x2];
	[bflag:$0x3] =	sbarrier.arrive $0xFFFF;
	s2 =	simm.s32 @!p0 $0x1C01  }
0x196: {  	[timem:s3], [sflag:s2] =	dma.local @!p0 [hbm:s0], s1  }
0x197: {  	s0 =	simm.s32 @!p0 $0x1  }
0x198: {  	_ =	swait.ge @!p0 [sflag:s0], s1  }
0x199: {  	s1 =	ssub.s32 @!p0 $0x0, s1;
	[sflag:s0] =	ssyncset.done @!p0 $0x0  }
0x19a: {  	[sflag:s0] =	ssyncadd.s32 @!p0 s1  }
0x19b: {  	[bflag:$0x3] =	sbarrier.arrive $0xFFFF  }
0x19c: {  	_ =	shalt  }

</sc_bundles>
